<compile_context>
chip_gen: v7x
topology: tpu7x:2x2x1
jax: 0.10.2.dev20260603
libtpu: 0.0.44.dev20260713+nightly
codegen_flags: <defaults>
</compile_context>

<pallas_src>
import functools

import jax
import jax.numpy as jnp
import numpy as np
from jax import lax
from jax.experimental import pallas as pl
from jax.experimental.pallas import tpu as pltpu
from jax.experimental.pallas import tpu_sc as plsc

BATCH = 1024
MAX_LEN = 200
D_MODEL = 128
VOCAB = 100000

NUM_CORES = 2
NUM_SUBCORES = 16
NW = NUM_CORES * NUM_SUBCORES
SENT_PER_W = BATCH // NW
H1 = 128
H2 = MAX_LEN - H1


def _positional_encoding() -> np.ndarray:
    even_i = np.arange(0, D_MODEL, 2, dtype=np.float32)
    inv_denom = (1.0 / np.power(np.float32(10000.0), even_i / D_MODEL)
                 ).astype(np.float32).reshape(1, D_MODEL // 2)
    position = np.arange(MAX_LEN, dtype=np.float32).reshape(MAX_LEN, 1)
    angle = position * inv_denom
    stacked = np.stack([np.sin(angle), np.cos(angle)], axis=-1)
    return stacked.reshape(MAX_LEN, D_MODEL).astype(np.float32)


_PE = _positional_encoding()


def _sc_body(tok_hbm, table_hbm, pe_hbm, out_hbm, idx_v, pe_v, rows,
             sin1, sout, sstage):
    wid = lax.axis_index("s") * NUM_CORES + lax.axis_index("c")
    sent0 = wid * SENT_PER_W
    idx_cp = pltpu.async_copy(tok_hbm.at[pl.ds(sent0, SENT_PER_W)], idx_v,
                              sstage)

    def issue_gather(s, b):
        pltpu.async_copy(table_hbm.at[idx_v.at[s, pl.ds(0, H1)]],
                         rows[b].at[pl.ds(0, H1)], sin1[b])
        pltpu.async_copy(table_hbm.at[idx_v.at[s, pl.ds(H1, H2)]],
                         rows[b].at[pl.ds(H1, H2)], sin1[b])

    def wait_in(b):
        pltpu.make_async_copy(out_hbm.at[0], rows[b], sin1[b]).wait()

    def wait_out(b):
        pltpu.make_async_copy(rows[b], out_hbm.at[0], sout[b]).wait()

    def add_pe(b, lo, hi):
        @pl.loop(lo, hi)
        def _row(r):
            for c in range(D_MODEL // 16):
                plsc.addupdate(rows[b].at[r, pl.ds(c * 16, 16)],
                               pe_v[r, pl.ds(c * 16, 16)])

    def issue_out_half(s, b, lo, n):
        pltpu.async_copy(rows[b].at[pl.ds(lo, n)],
                         out_hbm.at[sent0 + s, pl.ds(lo, n)], sout[b])

    idx_cp.wait()
    issue_gather(0, 0)
    issue_gather(1, 1)
    pltpu.async_copy(pe_hbm, pe_v, sstage).wait()

    @pl.loop(0, SENT_PER_W + 1, step=3)
    def _blk(s0):
        for b in range(3):
            s = s0 + b

            @pl.when(s < SENT_PER_W)
            def _():
                wait_in(b)

                @pl.when(s >= 1)
                def _():
                    wait_out((b - 1) % 3)

                add_pe(b, 0, H1)
                issue_out_half(s, b, 0, H1)
                add_pe(b, H1, MAX_LEN)
                issue_out_half(s, b, H1, H2)

                @pl.when(s + 2 < SENT_PER_W)
                def _():
                    issue_gather(s + 2, (b + 2) % 3)

    wait_out((SENT_PER_W - 1) % 3)


@functools.partial(
    pl.kernel,
    out_type=jax.ShapeDtypeStruct((BATCH, MAX_LEN, D_MODEL), jnp.float32),
    mesh=plsc.VectorSubcoreMesh(core_axis_name="c", subcore_axis_name="s",
                                num_cores=NUM_CORES,
                                num_subcores=NUM_SUBCORES),
    scratch_types=[
        pltpu.VMEM((SENT_PER_W, MAX_LEN), jnp.int32),
        pltpu.VMEM((MAX_LEN, D_MODEL), jnp.float32),
        [pltpu.VMEM((MAX_LEN, D_MODEL), jnp.float32) for _ in range(3)],
        [pltpu.SemaphoreType.DMA for _ in range(3)],
        [pltpu.SemaphoreType.DMA for _ in range(3)],
        pltpu.SemaphoreType.DMA,
    ],
)
def _sc_embed(tok_hbm, table_hbm, pe_hbm, out_hbm, idx_v, pe_v, rows,
              sin1, sout, sstage):
    _sc_body(tok_hbm, table_hbm, pe_hbm, out_hbm, idx_v, pe_v, rows,
             sin1, sout, sstage)


@jax.jit
def kernel(token_ids, emb_table):
    return _sc_embed(token_ids, emb_table, jnp.asarray(_PE))

# --- scband reference (transcript-rebuilt; emitter-appended) ---
"""Pipeline reference for scband-sentence-embedding-79714593014426 (READ-ONLY COPY).

The authoritative reference and input builder live on the scoring server;
editing this copy changes nothing except your own understanding.
"""

import jax, jax.numpy as jnp
import numpy as np

BATCH = 1024
MAX_LEN = 200
D_MODEL = 128
VOCAB = 100000


def positional_encoding(d_model, max_token_length):
    # Faithful port of AbsolutePositionalEncoding.forward
    even_i = jnp.arange(0, d_model, 2, dtype=jnp.float32)
    denominator = jnp.power(10000.0, even_i / d_model).reshape(1, d_model // 2)
    denominator = jnp.reciprocal(denominator)
    position = jnp.arange(max_token_length, dtype=jnp.float32).reshape(max_token_length, 1)
    angle_values = jnp.matmul(position, denominator)
    even_PE = jnp.sin(angle_values)
    odd_PE = jnp.cos(angle_values)
    stacked = jnp.stack([even_PE, odd_PE], axis=-1)
    PE = jnp.reshape(stacked, (max_token_length, d_model))
    return PE


def setup_inputs(seed: int = 0) -> dict:
    key = jax.random.key(seed)
    k1, k2 = jax.random.split(key)
    # Pre-tokenized indices: the original module's string-tokenizer path
    # (batch_tokenize) is CPU-side python string processing; the tensor compute
    # consumed by the embedding is an int index matrix [B, max_token_length].
    token_ids = jax.random.randint(k1, (BATCH, MAX_LEN), 0, VOCAB, dtype=jnp.int32)
    # Learned parameter: nn.Embedding(vocab_size, d_model) weight.
    emb_table = jax.random.normal(k2, (VOCAB, D_MODEL), dtype=jnp.float32)
    return {"token_ids": token_ids, "emb_table": emb_table}


def reference(token_ids, emb_table):
    # x = self.embedding(x)
    x = jnp.take(emb_table, token_ids, axis=0)  # [B, L, D] gather
    # pe = self.position_encoder.forward()
    pe = positional_encoding(D_MODEL, MAX_LEN)
    # x = x + pe  (broadcast over batch)
    x = x + pe[None, :, :]
    # self.dropout: identity in eval / deterministic mode
    return x

if __name__ == "__main__":
    import jax
    _d = setup_inputs()
    print(jax.jit(kernel)(*tuple(_d.values())))

</pallas_src>

<mosaic_0001>
#map = affine_map<(d0, d1) -> (0, 0)>
#map1 = affine_map<(d0, d1) -> (0, 0, 0)>
module attributes {stable_mosaic.version = 14 : i64} {
  func.func @_sc_embed(%arg0: i32, %arg1: i32, %arg2: memref<1024x200xi32, #tpu.memory_space<hbm>>, %arg3: memref<100000x128xf32, #tpu.memory_space<hbm>>, %arg4: memref<200x128xf32, #tpu.memory_space<hbm>>, %arg5: memref<1024x200x128xf32, #tpu.memory_space<hbm>>, %arg6: memref<32x200xi32, #tpu.memory_space<vmem>>, %arg7: memref<200x128xf32, #tpu.memory_space<vmem>>, %arg8: memref<200x128xf32, #tpu.memory_space<vmem>>, %arg9: memref<200x128xf32, #tpu.memory_space<vmem>>, %arg10: memref<200x128xf32, #tpu.memory_space<vmem>>, %arg11: memref<!tpu.dma_semaphore, #tpu.memory_space<semaphore_mem>>, %arg12: memref<!tpu.dma_semaphore, #tpu.memory_space<semaphore_mem>>, %arg13: memref<!tpu.dma_semaphore, #tpu.memory_space<semaphore_mem>>, %arg14: memref<!tpu.dma_semaphore, #tpu.memory_space<semaphore_mem>>, %arg15: memref<!tpu.dma_semaphore, #tpu.memory_space<semaphore_mem>>, %arg16: memref<!tpu.dma_semaphore, #tpu.memory_space<semaphore_mem>>, %arg17: memref<!tpu.dma_semaphore, #tpu.memory_space<semaphore_mem>>) attributes {dimension_semantics = [#tpu.dimension_semantics<core_parallel>, #tpu.dimension_semantics<subcore_parallel>], iteration_bounds = array<i64: 2, 16>, scalar_prefetch = 0 : i64, scratch_operands = 12 : i64, tpu.core_type = #tpu.core_type<sc_vector_subcore>, window_params = [{transform_indices = #map}, {transform_indices = #map}, {transform_indices = #map}, {transform_indices = #map1}]} {
    %mul3A = arith.constant 2 : i32
    %mul3A_0 = arith.muli %arg1, %mul3A : i32
    %add3A = arith.addi %mul3A_0, %arg0 : i32
    %mul3A_1 = arith.constant 32 : i32
    %mul3A_2 = arith.muli %add3A, %mul3A_1 : i32
    %dma_start3A = arith.constant 0 : i32
    %dma_start3A_3 = tpu.memref_slice %arg2[%mul3A_2, %dma_start3A] : memref<1024x200xi32, #tpu.memory_space<hbm>> -> memref<32x200xi32, #tpu.memory_space<hbm>>
    %dma_start3A_4 = arith.constant 0 : i32
    %dma_start3A_5 = tpu.memref_slice %arg2[%mul3A_2, %dma_start3A_4] : memref<1024x200xi32, #tpu.memory_space<hbm>> -> memref<32x200xi32, #tpu.memory_space<hbm>>
    tpu.enqueue_dma source(%dma_start3A_5 : memref<32x200xi32, #tpu.memory_space<hbm>>) target(%arg6 : memref<32x200xi32, #tpu.memory_space<vmem>>) target_semaphore(%arg17 : memref<!tpu.dma_semaphore, #tpu.memory_space<semaphore_mem>>)
    %dma_wait3A = arith.constant 0 : i32
    %dma_wait3A_6 = tpu.memref_slice %arg2[%mul3A_2, %dma_wait3A] : memref<1024x200xi32, #tpu.memory_space<hbm>> -> memref<32x200xi32, #tpu.memory_space<hbm>>
    %dma_wait3A_7 = arith.constant 0 : i32
    %dma_wait3A_8 = tpu.memref_slice %arg2[%mul3A_2, %dma_wait3A_7] : memref<1024x200xi32, #tpu.memory_space<hbm>> -> memref<32x200xi32, #tpu.memory_space<hbm>>
    tpu.wait_dma2 semaphore(%arg17 : memref<!tpu.dma_semaphore, #tpu.memory_space<semaphore_mem>>) src(%dma_wait3A_8 : memref<32x200xi32, #tpu.memory_space<hbm>>) dst(%arg6 : memref<32x200xi32, #tpu.memory_space<vmem>>)
    %dma_start3A_9 = arith.constant 0 : i32
    %dma_start3A_10 = arith.constant 0 : i32
    %dma_start3A_11 = arith.constant 0 : i32
    %dma_start3A_12 = tpu.memref_slice %arg8[%dma_start3A_10, %dma_start3A_11] : memref<200x128xf32, #tpu.memory_space<vmem>> -> memref<128x128xf32, #tpu.memory_space<vmem>>
    %dma_start3A_13 = arith.constant 0 : i32
    %dma_start3A_14 = tpu.memref_slice %arg6[%dma_start3A_9, %dma_start3A_13] : memref<32x200xi32, #tpu.memory_space<vmem>> -> memref<1x128xi32, #tpu.memory_space<vmem>>
    %dma_start3A_15 = tpu.memref_squeeze %dma_start3A_14 : memref<1x128xi32, #tpu.memory_space<vmem>> -> memref<128xi32, #tpu.memory_space<vmem>>
    %dma_start3A_16 = arith.constant 0 : i32
    %dma_start3A_17 = arith.constant 0 : i32
    %dma_start3A_18 = tpu.memref_slice %arg3[%dma_start3A_16, %dma_start3A_17] : memref<100000x128xf32, #tpu.memory_space<hbm>> -> memref<100000x128xf32, #tpu.memory_space<hbm>>
    tpu.enqueue_indirect_dma source(%dma_start3A_18 : memref<100000x128xf32, #tpu.memory_space<hbm>>) target(%dma_start3A_12 : memref<128x128xf32, #tpu.memory_space<vmem>>) offsets(%dma_start3A_15 : memref<128xi32, #tpu.memory_space<vmem>>) semaphore(%arg11 : memref<!tpu.dma_semaphore, #tpu.memory_space<semaphore_mem>>)
    %dma_start3A_19 = arith.constant 0 : i32
    %dma_start3A_20 = arith.constant 128 : i32
    %dma_start3A_21 = arith.constant 0 : i32
    %dma_start3A_22 = tpu.memref_slice %arg8[%dma_start3A_20, %dma_start3A_21] : memref<200x128xf32, #tpu.memory_space<vmem>> -> memref<72x128xf32, #tpu.memory_space<vmem>>
    %dma_start3A_23 = arith.constant 128 : i32
    %dma_start3A_24 = tpu.memref_slice %arg6[%dma_start3A_19, %dma_start3A_23] : memref<32x200xi32, #tpu.memory_space<vmem>> -> memref<1x72xi32, #tpu.memory_space<vmem>>
    %dma_start3A_25 = tpu.memref_squeeze %dma_start3A_24 : memref<1x72xi32, #tpu.memory_space<vmem>> -> memref<72xi32, #tpu.memory_space<vmem>>
    %dma_start3A_26 = arith.constant 0 : i32
    %dma_start3A_27 = arith.constant 0 : i32
    %dma_start3A_28 = tpu.memref_slice %arg3[%dma_start3A_26, %dma_start3A_27] : memref<100000x128xf32, #tpu.memory_space<hbm>> -> memref<100000x128xf32, #tpu.memory_space<hbm>>
    tpu.enqueue_indirect_dma source(%dma_start3A_28 : memref<100000x128xf32, #tpu.memory_space<hbm>>) target(%dma_start3A_22 : memref<72x128xf32, #tpu.memory_space<vmem>>) offsets(%dma_start3A_25 : memref<72xi32, #tpu.memory_space<vmem>>) semaphore(%arg11 : memref<!tpu.dma_semaphore, #tpu.memory_space<semaphore_mem>>)
    %dma_start3A_29 = arith.constant 1 : i32
    %dma_start3A_30 = arith.constant 0 : i32
    %dma_start3A_31 = arith.constant 0 : i32
    %dma_start3A_32 = tpu.memref_slice %arg9[%dma_start3A_30, %dma_start3A_31] : memref<200x128xf32, #tpu.memory_space<vmem>> -> memref<128x128xf32, #tpu.memory_space<vmem>>
    %dma_start3A_33 = arith.constant 0 : i32
    %dma_start3A_34 = tpu.memref_slice %arg6[%dma_start3A_29, %dma_start3A_33] : memref<32x200xi32, #tpu.memory_space<vmem>> -> memref<1x128xi32, #tpu.memory_space<vmem>>
    %dma_start3A_35 = tpu.memref_squeeze %dma_start3A_34 : memref<1x128xi32, #tpu.memory_space<vmem>> -> memref<128xi32, #tpu.memory_space<vmem>>
    %dma_start3A_36 = arith.constant 0 : i32
    %dma_start3A_37 = arith.constant 0 : i32
    %dma_start3A_38 = tpu.memref_slice %arg3[%dma_start3A_36, %dma_start3A_37] : memref<100000x128xf32, #tpu.memory_space<hbm>> -> memref<100000x128xf32, #tpu.memory_space<hbm>>
    tpu.enqueue_indirect_dma source(%dma_start3A_38 : memref<100000x128xf32, #tpu.memory_space<hbm>>) target(%dma_start3A_32 : memref<128x128xf32, #tpu.memory_space<vmem>>) offsets(%dma_start3A_35 : memref<128xi32, #tpu.memory_space<vmem>>) semaphore(%arg12 : memref<!tpu.dma_semaphore, #tpu.memory_space<semaphore_mem>>)
    %dma_start3A_39 = arith.constant 1 : i32
    %dma_start3A_40 = arith.constant 128 : i32
    %dma_start3A_41 = arith.constant 0 : i32
    %dma_start3A_42 = tpu.memref_slice %arg9[%dma_start3A_40, %dma_start3A_41] : memref<200x128xf32, #tpu.memory_space<vmem>> -> memref<72x128xf32, #tpu.memory_space<vmem>>
    %dma_start3A_43 = arith.constant 128 : i32
    %dma_start3A_44 = tpu.memref_slice %arg6[%dma_start3A_39, %dma_start3A_43] : memref<32x200xi32, #tpu.memory_space<vmem>> -> memref<1x72xi32, #tpu.memory_space<vmem>>
    %dma_start3A_45 = tpu.memref_squeeze %dma_start3A_44 : memref<1x72xi32, #tpu.memory_space<vmem>> -> memref<72xi32, #tpu.memory_space<vmem>>
    %dma_start3A_46 = arith.constant 0 : i32
    %dma_start3A_47 = arith.constant 0 : i32
    %dma_start3A_48 = tpu.memref_slice %arg3[%dma_start3A_46, %dma_start3A_47] : memref<100000x128xf32, #tpu.memory_space<hbm>> -> memref<100000x128xf32, #tpu.memory_space<hbm>>
    tpu.enqueue_indirect_dma source(%dma_start3A_48 : memref<100000x128xf32, #tpu.memory_space<hbm>>) target(%dma_start3A_42 : memref<72x128xf32, #tpu.memory_space<vmem>>) offsets(%dma_start3A_45 : memref<72xi32, #tpu.memory_space<vmem>>) semaphore(%arg12 : memref<!tpu.dma_semaphore, #tpu.memory_space<semaphore_mem>>)
    tpu.enqueue_dma source(%arg4 : memref<200x128xf32, #tpu.memory_space<hbm>>) target(%arg7 : memref<200x128xf32, #tpu.memory_space<vmem>>) target_semaphore(%arg17 : memref<!tpu.dma_semaphore, #tpu.memory_space<semaphore_mem>>)
    tpu.wait_dma2 semaphore(%arg17 : memref<!tpu.dma_semaphore, #tpu.memory_space<semaphore_mem>>) src(%arg4 : memref<200x128xf32, #tpu.memory_space<hbm>>) dst(%arg7 : memref<200x128xf32, #tpu.memory_space<vmem>>)
    %scan3A = arith.constant 0 : i32
    %scan3A_49 = arith.constant 11 : i32
    %scan3A_50 = arith.addi %scan3A, %scan3A_49 : i32
    %scan3A_51 = arith.constant 1 : i32
    scf.for %scan3A_62 = %scan3A to %scan3A_50 step %scan3A_51  : i32 {
      %mul3A_63 = arith.constant 3 : i32
      %mul3A_64 = arith.muli %scan3A_62, %mul3A_63 : i32
      %add3A_65 = arith.constant 0 : i32
      %add3A_66 = arith.addi %add3A_65, %mul3A_64 : i32
      %add3A_67 = arith.constant 0 : i32
      %add3A_68 = arith.addi %add3A_66, %add3A_67 : i32
      %lt3A = arith.constant 32 : i32
      %lt3A_69 = arith.cmpi slt, %add3A_68, %lt3A : i32
      %convert_element_type3A = arith.extui %lt3A_69 : i1 to i32
      %cond3A = arith.constant 0 : i32
      %cond3A_70 = arith.cmpi ne, %convert_element_type3A, %cond3A : i32
      scf.if %cond3A_70 {
        %dma_wait3A_85 = arith.constant 0 : i32
        %dma_wait3A_86 = arith.constant 0 : i32
        %dma_wait3A_87 = arith.constant 0 : i32
        %dma_wait3A_88 = tpu.memref_slice %arg5[%dma_wait3A_85, %dma_wait3A_86, %dma_wait3A_87] : memref<1024x200x128xf32, #tpu.memory_space<hbm>> -> memref<1x200x128xf32, #tpu.memory_space<hbm>>
        %dma_wait3A_89 = tpu.memref_squeeze %dma_wait3A_88 : memref<1x200x128xf32, #tpu.memory_space<hbm>> -> memref<200x128xf32, #tpu.memory_space<hbm>>
        %dma_wait3A_90 = arith.constant 0 : i32
        %dma_wait3A_91 = arith.constant 0 : i32
        %dma_wait3A_92 = tpu.memref_slice %arg5[%dma_wait3A_85, %dma_wait3A_90, %dma_wait3A_91] : memref<1024x200x128xf32, #tpu.memory_space<hbm>> -> memref<1x200x128xf32, #tpu.memory_space<hbm>>
        %dma_wait3A_93 = tpu.memref_squeeze %dma_wait3A_92 : memref<1x200x128xf32, #tpu.memory_space<hbm>> -> memref<200x128xf32, #tpu.memory_space<hbm>>
        tpu.wait_dma2 semaphore(%arg11 : memref<!tpu.dma_semaphore, #tpu.memory_space<semaphore_mem>>) src(%dma_wait3A_93 : memref<200x128xf32, #tpu.memory_space<hbm>>) dst(%arg8 : memref<200x128xf32, #tpu.memory_space<vmem>>)
        %ge3A = arith.constant 1 : i32
        %ge3A_94 = arith.cmpi sge, %add3A_68, %ge3A : i32
        %convert_element_type3A_95 = arith.extui %ge3A_94 : i1 to i32
        %cond3A_96 = arith.constant 0 : i32
        %cond3A_97 = arith.cmpi ne, %convert_element_type3A_95, %cond3A_96 : i32
        scf.if %cond3A_97 {
          %dma_wait3A_145 = arith.constant 0 : i32
          %dma_wait3A_146 = arith.constant 0 : i32
          %dma_wait3A_147 = arith.constant 0 : i32
          %dma_wait3A_148 = tpu.memref_slice %arg5[%dma_wait3A_145, %dma_wait3A_146, %dma_wait3A_147] : memref<1024x200x128xf32, #tpu.memory_space<hbm>> -> memref<1x200x128xf32, #tpu.memory_space<hbm>>
          %dma_wait3A_149 = tpu.memref_squeeze %dma_wait3A_148 : memref<1x200x128xf32, #tpu.memory_space<hbm>> -> memref<200x128xf32, #tpu.memory_space<hbm>>
          %dma_wait3A_150 = arith.constant 0 : i32
          %dma_wait3A_151 = arith.constant 0 : i32
          %dma_wait3A_152 = tpu.memref_slice %arg5[%dma_wait3A_145, %dma_wait3A_150, %dma_wait3A_151] : memref<1024x200x128xf32, #tpu.memory_space<hbm>> -> memref<1x200x128xf32, #tpu.memory_space<hbm>>
          %dma_wait3A_153 = tpu.memref_squeeze %dma_wait3A_152 : memref<1x200x128xf32, #tpu.memory_space<hbm>> -> memref<200x128xf32, #tpu.memory_space<hbm>>
          tpu.wait_dma2 semaphore(%arg16 : memref<!tpu.dma_semaphore, #tpu.memory_space<semaphore_mem>>) src(%arg10 : memref<200x128xf32, #tpu.memory_space<vmem>>) dst(%dma_wait3A_153 : memref<200x128xf32, #tpu.memory_space<hbm>>)
        } else {
        }
        %scan3A_98 = arith.constant 0 : i32
        %scan3A_99 = arith.constant 128 : i32
        %scan3A_100 = arith.addi %scan3A_98, %scan3A_99 : i32
        %scan3A_101 = arith.constant 1 : i32
        scf.for %scan3A_145 = %scan3A_98 to %scan3A_100 step %scan3A_101  : i32 {
          %mul3A_146 = arith.constant 1 : i32
          %mul3A_147 = arith.muli %scan3A_145, %mul3A_146 : i32
          %add3A_148 = arith.constant 0 : i32
          %add3A_149 = arith.addi %add3A_148, %mul3A_147 : i32
          %get3A = arith.index_cast %add3A_149 : i32 to index
          %get3A_150 = arith.constant 0 : index
          %get3A_151 = tpu.vector_load %arg7[%get3A, %get3A_150] {strides = array<i32>} : memref<200x128xf32, #tpu.memory_space<vmem>>, vector<1x16xf32>,
          %get3A_152 = vector.shape_cast %get3A_151 : vector<1x16xf32> to vector<16xf32>
          %swap3A = arith.index_cast %add3A_149 : i32 to index
          %swap3A_153 = arith.constant 0 : index
          %swap3A_154 = tpu.vector_load %arg8[%swap3A, %swap3A_153] {strides = array<i32>} : memref<200x128xf32, #tpu.memory_space<vmem>>, vector<1x16xf32>,
          %swap3A_155 = vector.shape_cast %swap3A_154 : vector<1x16xf32> to vector<16xf32>
          %swap3A_156 = vector.shape_cast %get3A_152 : vector<16xf32> to vector<1x16xf32>
          tpu.vector_store %arg8[%swap3A, %swap3A_153], %swap3A_156 {add = true, strides = array<i32>} : memref<200x128xf32, #tpu.memory_space<vmem>>, vector<1x16xf32>,
          %get3A_157 = arith.index_cast %add3A_149 : i32 to index
          %get3A_158 = arith.constant 16 : index
          %get3A_159 = tpu.vector_load %arg7[%get3A_157, %get3A_158] {strides = array<i32>} : memref<200x128xf32, #tpu.memory_space<vmem>>, vector<1x16xf32>,
          %get3A_160 = vector.shape_cast %get3A_159 : vector<1x16xf32> to vector<16xf32>
          %swap3A_161 = arith.index_cast %add3A_149 : i32 to index
          %swap3A_162 = arith.constant 16 : index
          %swap3A_163 = tpu.vector_load %arg8[%swap3A_161, %swap3A_162] {strides = array<i32>} : memref<200x128xf32, #tpu.memory_space<vmem>>, vector<1x16xf32>,
          %swap3A_164 = vector.shape_cast %swap3A_163 : vector<1x16xf32> to vector<16xf32>
          %swap3A_165 = vector.shape_cast %get3A_160 : vector<16xf32> to vector<1x16xf32>
          tpu.vector_store %arg8[%swap3A_161, %swap3A_162], %swap3A_165 {add = true, strides = array<i32>} : memref<200x128xf32, #tpu.memory_space<vmem>>, vector<1x16xf32>,
          %get3A_166 = arith.index_cast %add3A_149 : i32 to index
          %get3A_167 = arith.constant 32 : index
          %get3A_168 = tpu.vector_load %arg7[%get3A_166, %get3A_167] {strides = array<i32>} : memref<200x128xf32, #tpu.memory_space<vmem>>, vector<1x16xf32>,
          %get3A_169 = vector.shape_cast %get3A_168 : vector<1x16xf32> to vector<16xf32>
          %swap3A_170 = arith.index_cast %add3A_149 : i32 to index
          %swap3A_171 = arith.constant 32 : index
          %swap3A_172 = tpu.vector_load %arg8[%swap3A_170, %swap3A_171] {strides = array<i32>} : memref<200x128xf32, #tpu.memory_space<vmem>>, vector<1x16xf32>,
          %swap3A_173 = vector.shape_cast %swap3A_172 : vector<1x16xf32> to vector<16xf32>
          %swap3A_174 = vector.shape_cast %get3A_169 : vector<16xf32> to vector<1x16xf32>
          tpu.vector_store %arg8[%swap3A_170, %swap3A_171], %swap3A_174 {add = true, strides = array<i32>} : memref<200x128xf32, #tpu.memory_space<vmem>>, vector<1x16xf32>,
          %get3A_175 = arith.index_cast %add3A_149 : i32 to index
          %get3A_176 = arith.constant 48 : index
          %get3A_177 = tpu.vector_load %arg7[%get3A_175, %get3A_176] {strides = array<i32>} : memref<200x128xf32, #tpu.memory_space<vmem>>, vector<1x16xf32>,
          %get3A_178 = vector.shape_cast %get3A_177 : vector<1x16xf32> to vector<16xf32>
          %swap3A_179 = arith.index_cast %add3A_149 : i32 to index
          %swap3A_180 = arith.constant 48 : index
          %swap3A_181 = tpu.vector_load %arg8[%swap3A_179, %swap3A_180] {strides = array<i32>} : memref<200x128xf32, #tpu.memory_space<vmem>>, vector<1x16xf32>,
          %swap3A_182 = vector.shape_cast %swap3A_181 : vector<1x16xf32> to vector<16xf32>
          %swap3A_183 = vector.shape_cast %get3A_178 : vector<16xf32> to vector<1x16xf32>
          tpu.vector_store %arg8[%swap3A_179, %swap3A_180], %swap3A_183 {add = true, strides = array<i32>} : memref<200x128xf32, #tpu.memory_space<vmem>>, vector<1x16xf32>,
          %get3A_184 = arith.index_cast %add3A_149 : i32 to index
          %get3A_185 = arith.constant 64 : index
          %get3A_186 = tpu.vector_load %arg7[%get3A_184, %get3A_185] {strides = array<i32>} : memref<200x128xf32, #tpu.memory_space<vmem>>, vector<1x16xf32>,
          %get3A_187 = vector.shape_cast %get3A_186 : vector<1x16xf32> to vector<16xf32>
          %swap3A_188 = arith.index_cast %add3A_149 : i32 to index
          %swap3A_189 = arith.constant 64 : index
          %swap3A_190 = tpu.vector_load %arg8[%swap3A_188, %swap3A_189] {strides = array<i32>} : memref<200x128xf32, #tpu.memory_space<vmem>>, vector<1x16xf32>,
          %swap3A_191 = vector.shape_cast %swap3A_190 : vector<1x16xf32> to vector<16xf32>
          %swap3A_192 = vector.shape_cast %get3A_187 : vector<16xf32> to vector<1x16xf32>
          tpu.vector_store %arg8[%swap3A_188, %swap3A_189], %swap3A_192 {add = true, strides = array<i32>} : memref<200x128xf32, #tpu.memory_space<vmem>>, vector<1x16xf32>,
          %get3A_193 = arith.index_cast %add3A_149 : i32 to index
          %get3A_194 = arith.constant 80 : index
          %get3A_195 = tpu.vector_load %arg7[%get3A_193, %get3A_194] {strides = array<i32>} : memref<200x128xf32, #tpu.memory_space<vmem>>, vector<1x16xf32>,
          %get3A_196 = vector.shape_cast %get3A_195 : vector<1x16xf32> to vector<16xf32>
          %swap3A_197 = arith.index_cast %add3A_149 : i32 to index
          %swap3A_198 = arith.constant 80 : index
          %swap3A_199 = tpu.vector_load %arg8[%swap3A_197, %swap3A_198] {strides = array<i32>} : memref<200x128xf32, #tpu.memory_space<vmem>>, vector<1x16xf32>,
          %swap3A_200 = vector.shape_cast %swap3A_199 : vector<1x16xf32> to vector<16xf32>
          %swap3A_201 = vector.shape_cast %get3A_196 : vector<16xf32> to vector<1x16xf32>
          tpu.vector_store %arg8[%swap3A_197, %swap3A_198], %swap3A_201 {add = true, strides = array<i32>} : memref<200x128xf32, #tpu.memory_space<vmem>>, vector<1x16xf32>,
          %get3A_202 = arith.index_cast %add3A_149 : i32 to index
          %get3A_203 = arith.constant 96 : index
          %get3A_204 = tpu.vector_load %arg7[%get3A_202, %get3A_203] {strides = array<i32>} : memref<200x128xf32, #tpu.memory_space<vmem>>, vector<1x16xf32>,
          %get3A_205 = vector.shape_cast %get3A_204 : vector<1x16xf32> to vector<16xf32>
          %swap3A_206 = arith.index_cast %add3A_149 : i32 to index
          %swap3A_207 = arith.constant 96 : index
          %swap3A_208 = tpu.vector_load %arg8[%swap3A_206, %swap3A_207] {strides = array<i32>} : memref<200x128xf32, #tpu.memory_space<vmem>>, vector<1x16xf32>,
          %swap3A_209 = vector.shape_cast %swap3A_208 : vector<1x16xf32> to vector<16xf32>
          %swap3A_210 = vector.shape_cast %get3A_205 : vector<16xf32> to vector<1x16xf32>
          tpu.vector_store %arg8[%swap3A_206, %swap3A_207], %swap3A_210 {add = true, strides = array<i32>} : memref<200x128xf32, #tpu.memory_space<vmem>>, vector<1x16xf32>,
          %get3A_211 = arith.index_cast %add3A_149 : i32 to index
          %get3A_212 = arith.constant 112 : index
          %get3A_213 = tpu.vector_load %arg7[%get3A_211, %get3A_212] {strides = array<i32>} : memref<200x128xf32, #tpu.memory_space<vmem>>, vector<1x16xf32>,
          %get3A_214 = vector.shape_cast %get3A_213 : vector<1x16xf32> to vector<16xf32>
          %swap3A_215 = arith.index_cast %add3A_149 : i32 to index
          %swap3A_216 = arith.constant 112 : index
          %swap3A_217 = tpu.vector_load %arg8[%swap3A_215, %swap3A_216] {strides = array<i32>} : memref<200x128xf32, #tpu.memory_space<vmem>>, vector<1x16xf32>,
          %swap3A_218 = vector.shape_cast %swap3A_217 : vector<1x16xf32> to vector<16xf32>
          %swap3A_219 = vector.shape_cast %get3A_214 : vector<16xf32> to vector<1x16xf32>
          tpu.vector_store %arg8[%swap3A_215, %swap3A_216], %swap3A_219 {add = true, strides = array<i32>} : memref<200x128xf32, #tpu.memory_space<vmem>>, vector<1x16xf32>,
        }
        %scan3A_102 = arith.constant 128 : i32
        %add3A_103 = arith.addi %mul3A_2, %add3A_68 : i32
        %dma_start3A_104 = arith.constant 0 : i32
        %dma_start3A_105 = arith.constant 0 : i32
        %dma_start3A_106 = tpu.memref_slice %arg8[%dma_start3A_104, %dma_start3A_105] : memref<200x128xf32, #tpu.memory_space<vmem>> -> memref<128x128xf32, #tpu.memory_space<vmem>>
        %dma_start3A_107 = arith.constant 0 : i32
        %dma_start3A_108 = arith.constant 0 : i32
        %dma_start3A_109 = tpu.memref_slice %arg5[%add3A_103, %dma_start3A_107, %dma_start3A_108] : memref<1024x200x128xf32, #tpu.memory_space<hbm>> -> memref<1x128x128xf32, #tpu.memory_space<hbm>>
        %dma_start3A_110 = tpu.memref_squeeze %dma_start3A_109 : memref<1x128x128xf32, #tpu.memory_space<hbm>> -> memref<128x128xf32, #tpu.memory_space<hbm>>
        %dma_start3A_111 = arith.constant 0 : i32
        %dma_start3A_112 = arith.constant 0 : i32
        %dma_start3A_113 = tpu.memref_slice %arg5[%add3A_103, %dma_start3A_111, %dma_start3A_112] : memref<1024x200x128xf32, #tpu.memory_space<hbm>> -> memref<1x128x128xf32, #tpu.memory_space<hbm>>
        %dma_start3A_114 = tpu.memref_squeeze %dma_start3A_113 : memref<1x128x128xf32, #tpu.memory_space<hbm>> -> memref<128x128xf32, #tpu.memory_space<hbm>>
        %dma_start3A_115 = arith.constant 0 : i32
        %dma_start3A_116 = arith.constant 0 : i32
        %dma_start3A_117 = tpu.memref_slice %arg8[%dma_start3A_115, %dma_start3A_116] : memref<200x128xf32, #tpu.memory_space<vmem>> -> memref<128x128xf32, #tpu.memory_space<vmem>>
        tpu.enqueue_dma source(%dma_start3A_117 : memref<128x128xf32, #tpu.memory_space<vmem>>) target(%dma_start3A_114 : memref<128x128xf32, #tpu.memory_space<hbm>>) target_semaphore(%arg14 : memref<!tpu.dma_semaphore, #tpu.memory_space<semaphore_mem>>)
        %scan3A_118 = arith.constant 0 : i32
        %scan3A_119 = arith.constant 72 : i32
        %scan3A_120 = arith.addi %scan3A_118, %scan3A_119 : i32
        %scan3A_121 = arith.constant 1 : i32
        scf.for %scan3A_145 = %scan3A_118 to %scan3A_120 step %scan3A_121  : i32 {
          %mul3A_146 = arith.constant 1 : i32
          %mul3A_147 = arith.muli %scan3A_145, %mul3A_146 : i32
          %add3A_148 = arith.constant 128 : i32
          %add3A_149 = arith.addi %add3A_148, %mul3A_147 : i32
          %get3A = arith.index_cast %add3A_149 : i32 to index
          %get3A_150 = arith.constant 0 : index
          %get3A_151 = tpu.vector_load %arg7[%get3A, %get3A_150] {strides = array<i32>} : memref<200x128xf32, #tpu.memory_space<vmem>>, vector<1x16xf32>,
          %get3A_152 = vector.shape_cast %get3A_151 : vector<1x16xf32> to vector<16xf32>
          %swap3A = arith.index_cast %add3A_149 : i32 to index
          %swap3A_153 = arith.constant 0 : index
          %swap3A_154 = tpu.vector_load %arg8[%swap3A, %swap3A_153] {strides = array<i32>} : memref<200x128xf32, #tpu.memory_space<vmem>>, vector<1x16xf32>,
          %swap3A_155 = vector.shape_cast %swap3A_154 : vector<1x16xf32> to vector<16xf32>
          %swap3A_156 = vector.shape_cast %get3A_152 : vector<16xf32> to vector<1x16xf32>
          tpu.vector_store %arg8[%swap3A, %swap3A_153], %swap3A_156 {add = true, strides = array<i32>} : memref<200x128xf32, #tpu.memory_space<vmem>>, vector<1x16xf32>,
          %get3A_157 = arith.index_cast %add3A_149 : i32 to index
          %get3A_158 = arith.constant 16 : index
          %get3A_159 = tpu.vector_load %arg7[%get3A_157, %get3A_158] {strides = array<i32>} : memref<200x128xf32, #tpu.memory_space<vmem>>, vector<1x16xf32>,
          %get3A_160 = vector.shape_cast %get3A_159 : vector<1x16xf32> to vector<16xf32>
          %swap3A_161 = arith.index_cast %add3A_149 : i32 to index
          %swap3A_162 = arith.constant 16 : index
          %swap3A_163 = tpu.vector_load %arg8[%swap3A_161, %swap3A_162] {strides = array<i32>} : memref<200x128xf32, #tpu.memory_space<vmem>>, vector<1x16xf32>,
          %swap3A_164 = vector.shape_cast %swap3A_163 : vector<1x16xf32> to vector<16xf32>
          %swap3A_165 = vector.shape_cast %get3A_160 : vector<16xf32> to vector<1x16xf32>
          tpu.vector_store %arg8[%swap3A_161, %swap3A_162], %swap3A_165 {add = true, strides = array<i32>} : memref<200x128xf32, #tpu.memory_space<vmem>>, vector<1x16xf32>,
          %get3A_166 = arith.index_cast %add3A_149 : i32 to index
          %get3A_167 = arith.constant 32 : index
          %get3A_168 = tpu.vector_load %arg7[%get3A_166, %get3A_167] {strides = array<i32>} : memref<200x128xf32, #tpu.memory_space<vmem>>, vector<1x16xf32>,
          %get3A_169 = vector.shape_cast %get3A_168 : vector<1x16xf32> to vector<16xf32>
          %swap3A_170 = arith.index_cast %add3A_149 : i32 to index
          %swap3A_171 = arith.constant 32 : index
          %swap3A_172 = tpu.vector_load %arg8[%swap3A_170, %swap3A_171] {strides = array<i32>} : memref<200x128xf32, #tpu.memory_space<vmem>>, vector<1x16xf32>,
          %swap3A_173 = vector.shape_cast %swap3A_172 : vector<1x16xf32> to vector<16xf32>
          %swap3A_174 = vector.shape_cast %get3A_169 : vector<16xf32> to vector<1x16xf32>
          tpu.vector_store %arg8[%swap3A_170, %swap3A_171], %swap3A_174 {add = true, strides = array<i32>} : memref<200x128xf32, #tpu.memory_space<vmem>>, vector<1x16xf32>,
          %get3A_175 = arith.index_cast %add3A_149 : i32 to index
          %get3A_176 = arith.constant 48 : index
          %get3A_177 = tpu.vector_load %arg7[%get3A_175, %get3A_176] {strides = array<i32>} : memref<200x128xf32, #tpu.memory_space<vmem>>, vector<1x16xf32>,
          %get3A_178 = vector.shape_cast %get3A_177 : vector<1x16xf32> to vector<16xf32>
          %swap3A_179 = arith.index_cast %add3A_149 : i32 to index
          %swap3A_180 = arith.constant 48 : index
          %swap3A_181 = tpu.vector_load %arg8[%swap3A_179, %swap3A_180] {strides = array<i32>} : memref<200x128xf32, #tpu.memory_space<vmem>>, vector<1x16xf32>,
          %swap3A_182 = vector.shape_cast %swap3A_181 : vector<1x16xf32> to vector<16xf32>
          %swap3A_183 = vector.shape_cast %get3A_178 : vector<16xf32> to vector<1x16xf32>
          tpu.vector_store %arg8[%swap3A_179, %swap3A_180], %swap3A_183 {add = true, strides = array<i32>} : memref<200x128xf32, #tpu.memory_space<vmem>>, vector<1x16xf32>,
          %get3A_184 = arith.index_cast %add3A_149 : i32 to index
          %get3A_185 = arith.constant 64 : index
          %get3A_186 = tpu.vector_load %arg7[%get3A_184, %get3A_185] {strides = array<i32>} : memref<200x128xf32, #tpu.memory_space<vmem>>, vector<1x16xf32>,
          %get3A_187 = vector.shape_cast %get3A_186 : vector<1x16xf32> to vector<16xf32>
          %swap3A_188 = arith.index_cast %add3A_149 : i32 to index
          %swap3A_189 = arith.constant 64 : index
          %swap3A_190 = tpu.vector_load %arg8[%swap3A_188, %swap3A_189] {strides = array<i32>} : memref<200x128xf32, #tpu.memory_space<vmem>>, vector<1x16xf32>,
          %swap3A_191 = vector.shape_cast %swap3A_190 : vector<1x16xf32> to vector<16xf32>
          %swap3A_192 = vector.shape_cast %get3A_187 : vector<16xf32> to vector<1x16xf32>
          tpu.vector_store %arg8[%swap3A_188, %swap3A_189], %swap3A_192 {add = true, strides = array<i32>} : memref<200x128xf32, #tpu.memory_space<vmem>>, vector<1x16xf32>,
          %get3A_193 = arith.index_cast %add3A_149 : i32 to index
          %get3A_194 = arith.constant 80 : index
          %get3A_195 = tpu.vector_load %arg7[%get3A_193, %get3A_194] {strides = array<i32>} : memref<200x128xf32, #tpu.memory_space<vmem>>, vector<1x16xf32>,
          %get3A_196 = vector.shape_cast %get3A_195 : vector<1x16xf32> to vector<16xf32>
          %swap3A_197 = arith.index_cast %add3A_149 : i32 to index
          %swap3A_198 = arith.constant 80 : index
          %swap3A_199 = tpu.vector_load %arg8[%swap3A_197, %swap3A_198] {strides = array<i32>} : memref<200x128xf32, #tpu.memory_space<vmem>>, vector<1x16xf32>,
          %swap3A_200 = vector.shape_cast %swap3A_199 : vector<1x16xf32> to vector<16xf32>
          %swap3A_201 = vector.shape_cast %get3A_196 : vector<16xf32> to vector<1x16xf32>
          tpu.vector_store %arg8[%swap3A_197, %swap3A_198], %swap3A_201 {add = true, strides = array<i32>} : memref<200x128xf32, #tpu.memory_space<vmem>>, vector<1x16xf32>,
          %get3A_202 = arith.index_cast %add3A_149 : i32 to index
          %get3A_203 = arith.constant 96 : index
          %get3A_204 = tpu.vector_load %arg7[%get3A_202, %get3A_203] {strides = array<i32>} : memref<200x128xf32, #tpu.memory_space<vmem>>, vector<1x16xf32>,
          %get3A_205 = vector.shape_cast %get3A_204 : vector<1x16xf32> to vector<16xf32>
          %swap3A_206 = arith.index_cast %add3A_149 : i32 to index
          %swap3A_207 = arith.constant 96 : index
          %swap3A_208 = tpu.vector_load %arg8[%swap3A_206, %swap3A_207] {strides = array<i32>} : memref<200x128xf32, #tpu.memory_space<vmem>>, vector<1x16xf32>,
          %swap3A_209 = vector.shape_cast %swap3A_208 : vector<1x16xf32> to vector<16xf32>
          %swap3A_210 = vector.shape_cast %get3A_205 : vector<16xf32> to vector<1x16xf32>
          tpu.vector_store %arg8[%swap3A_206, %swap3A_207], %swap3A_210 {add = true, strides = array<i32>} : memref<200x128xf32, #tpu.memory_space<vmem>>, vector<1x16xf32>,
          %get3A_211 = arith.index_cast %add3A_149 : i32 to index
          %get3A_212 = arith.constant 112 : index
          %get3A_213 = tpu.vector_load %arg7[%get3A_211, %get3A_212] {strides = array<i32>} : memref<200x128xf32, #tpu.memory_space<vmem>>, vector<1x16xf32>,
          %get3A_214 = vector.shape_cast %get3A_213 : vector<1x16xf32> to vector<16xf32>
          %swap3A_215 = arith.index_cast %add3A_149 : i32 to index
          %swap3A_216 = arith.constant 112 : index
          %swap3A_217 = tpu.vector_load %arg8[%swap3A_215, %swap3A_216] {strides = array<i32>} : memref<200x128xf32, #tpu.memory_space<vmem>>, vector<1x16xf32>,
          %swap3A_218 = vector.shape_cast %swap3A_217 : vector<1x16xf32> to vector<16xf32>
          %swap3A_219 = vector.shape_cast %get3A_214 : vector<16xf32> to vector<1x16xf32>
          tpu.vector_store %arg8[%swap3A_215, %swap3A_216], %swap3A_219 {add = true, strides = array<i32>} : memref<200x128xf32, #tpu.memory_space<vmem>>, vector<1x16xf32>,
        }
        %scan3A_122 = arith.constant 72 : i32
        %add3A_123 = arith.addi %mul3A_2, %add3A_68 : i32
        %dma_start3A_124 = arith.constant 128 : i32
        %dma_start3A_125 = arith.constant 0 : i32
        %dma_start3A_126 = tpu.memref_slice %arg8[%dma_start3A_124, %dma_start3A_125] : memref<200x128xf32, #tpu.memory_space<vmem>> -> memref<72x128xf32, #tpu.memory_space<vmem>>
        %dma_start3A_127 = arith.constant 128 : i32
        %dma_start3A_128 = arith.constant 0 : i32
        %dma_start3A_129 = tpu.memref_slice %arg5[%add3A_123, %dma_start3A_127, %dma_start3A_128] : memref<1024x200x128xf32, #tpu.memory_space<hbm>> -> memref<1x72x128xf32, #tpu.memory_space<hbm>>
        %dma_start3A_130 = tpu.memref_squeeze %dma_start3A_129 : memref<1x72x128xf32, #tpu.memory_space<hbm>> -> memref<72x128xf32, #tpu.memory_space<hbm>>
        %dma_start3A_131 = arith.constant 128 : i32
        %dma_start3A_132 = arith.constant 0 : i32
        %dma_start3A_133 = tpu.memref_slice %arg5[%add3A_123, %dma_start3A_131, %dma_start3A_132] : memref<1024x200x128xf32, #tpu.memory_space<hbm>> -> memref<1x72x128xf32, #tpu.memory_space<hbm>>
        %dma_start3A_134 = tpu.memref_squeeze %dma_start3A_133 : memref<1x72x128xf32, #tpu.memory_space<hbm>> -> memref<72x128xf32, #tpu.memory_space<hbm>>
        %dma_start3A_135 = arith.constant 128 : i32
        %dma_start3A_136 = arith.constant 0 : i32
        %dma_start3A_137 = tpu.memref_slice %arg8[%dma_start3A_135, %dma_start3A_136] : memref<200x128xf32, #tpu.memory_space<vmem>> -> memref<72x128xf32, #tpu.memory_space<vmem>>
        tpu.enqueue_dma source(%dma_start3A_137 : memref<72x128xf32, #tpu.memory_space<vmem>>) target(%dma_start3A_134 : memref<72x128xf32, #tpu.memory_space<hbm>>) target_semaphore(%arg14 : memref<!tpu.dma_semaphore, #tpu.memory_space<semaphore_mem>>)
        %add3A_138 = arith.constant 2 : i32
        %add3A_139 = arith.addi %add3A_68, %add3A_138 : i32
        %lt3A_140 = arith.constant 32 : i32
        %lt3A_141 = arith.cmpi slt, %add3A_139, %lt3A_140 : i32
        %convert_element_type3A_142 = arith.extui %lt3A_141 : i1 to i32
        %cond3A_143 = arith.constant 0 : i32
        %cond3A_144 = arith.cmpi ne, %convert_element_type3A_142, %cond3A_143 : i32
        scf.if %cond3A_144 {
          %add3A_145 = arith.constant 2 : i32
          %add3A_146 = arith.addi %add3A_68, %add3A_145 : i32
          %dma_start3A_147 = arith.constant 0 : i32
          %dma_start3A_148 = arith.constant 0 : i32
          %dma_start3A_149 = tpu.memref_slice %arg10[%dma_start3A_147, %dma_start3A_148] : memref<200x128xf32, #tpu.memory_space<vmem>> -> memref<128x128xf32, #tpu.memory_space<vmem>>
          %dma_start3A_150 = arith.constant 0 : i32
          %dma_start3A_151 = tpu.memref_slice %arg6[%add3A_146, %dma_start3A_150] : memref<32x200xi32, #tpu.memory_space<vmem>> -> memref<1x128xi32, #tpu.memory_space<vmem>>
          %dma_start3A_152 = tpu.memref_squeeze %dma_start3A_151 : memref<1x128xi32, #tpu.memory_space<vmem>> -> memref<128xi32, #tpu.memory_space<vmem>>
          %dma_start3A_153 = arith.constant 0 : i32
          %dma_start3A_154 = arith.constant 0 : i32
          %dma_start3A_155 = tpu.memref_slice %arg3[%dma_start3A_153, %dma_start3A_154] : memref<100000x128xf32, #tpu.memory_space<hbm>> -> memref<100000x128xf32, #tpu.memory_space<hbm>>
          tpu.enqueue_indirect_dma source(%dma_start3A_155 : memref<100000x128xf32, #tpu.memory_space<hbm>>) target(%dma_start3A_149 : memref<128x128xf32, #tpu.memory_space<vmem>>) offsets(%dma_start3A_152 : memref<128xi32, #tpu.memory_space<vmem>>) semaphore(%arg13 : memref<!tpu.dma_semaphore, #tpu.memory_space<semaphore_mem>>)
          %dma_start3A_156 = arith.constant 128 : i32
          %dma_start3A_157 = arith.constant 0 : i32
          %dma_start3A_158 = tpu.memref_slice %arg10[%dma_start3A_156, %dma_start3A_157] : memref<200x128xf32, #tpu.memory_space<vmem>> -> memref<72x128xf32, #tpu.memory_space<vmem>>
          %dma_start3A_159 = arith.constant 128 : i32
          %dma_start3A_160 = tpu.memref_slice %arg6[%add3A_146, %dma_start3A_159] : memref<32x200xi32, #tpu.memory_space<vmem>> -> memref<1x72xi32, #tpu.memory_space<vmem>>
          %dma_start3A_161 = tpu.memref_squeeze %dma_start3A_160 : memref<1x72xi32, #tpu.memory_space<vmem>> -> memref<72xi32, #tpu.memory_space<vmem>>
          %dma_start3A_162 = arith.constant 0 : i32
          %dma_start3A_163 = arith.constant 0 : i32
          %dma_start3A_164 = tpu.memref_slice %arg3[%dma_start3A_162, %dma_start3A_163] : memref<100000x128xf32, #tpu.memory_space<hbm>> -> memref<100000x128xf32, #tpu.memory_space<hbm>>
          tpu.enqueue_indirect_dma source(%dma_start3A_164 : memref<100000x128xf32, #tpu.memory_space<hbm>>) target(%dma_start3A_158 : memref<72x128xf32, #tpu.memory_space<vmem>>) offsets(%dma_start3A_161 : memref<72xi32, #tpu.memory_space<vmem>>) semaphore(%arg13 : memref<!tpu.dma_semaphore, #tpu.memory_space<semaphore_mem>>)
        } else {
        }
      } else {
      }
      %add3A_71 = arith.constant 1 : i32
      %add3A_72 = arith.addi %add3A_66, %add3A_71 : i32
      %lt3A_73 = arith.constant 32 : i32
      %lt3A_74 = arith.cmpi slt, %add3A_72, %lt3A_73 : i32
      %convert_element_type3A_75 = arith.extui %lt3A_74 : i1 to i32
      %cond3A_76 = arith.constant 0 : i32
      %cond3A_77 = arith.cmpi ne, %convert_element_type3A_75, %cond3A_76 : i32
      scf.if %cond3A_77 {
        %dma_wait3A_85 = arith.constant 0 : i32
        %dma_wait3A_86 = arith.constant 0 : i32
        %dma_wait3A_87 = arith.constant 0 : i32
        %dma_wait3A_88 = tpu.memref_slice %arg5[%dma_wait3A_85, %dma_wait3A_86, %dma_wait3A_87] : memref<1024x200x128xf32, #tpu.memory_space<hbm>> -> memref<1x200x128xf32, #tpu.memory_space<hbm>>
        %dma_wait3A_89 = tpu.memref_squeeze %dma_wait3A_88 : memref<1x200x128xf32, #tpu.memory_space<hbm>> -> memref<200x128xf32, #tpu.memory_space<hbm>>
        %dma_wait3A_90 = arith.constant 0 : i32
        %dma_wait3A_91 = arith.constant 0 : i32
        %dma_wait3A_92 = tpu.memref_slice %arg5[%dma_wait3A_85, %dma_wait3A_90, %dma_wait3A_91] : memref<1024x200x128xf32, #tpu.memory_space<hbm>> -> memref<1x200x128xf32, #tpu.memory_space<hbm>>
        %dma_wait3A_93 = tpu.memref_squeeze %dma_wait3A_92 : memref<1x200x128xf32, #tpu.memory_space<hbm>> -> memref<200x128xf32, #tpu.memory_space<hbm>>
        tpu.wait_dma2 semaphore(%arg12 : memref<!tpu.dma_semaphore, #tpu.memory_space<semaphore_mem>>) src(%dma_wait3A_93 : memref<200x128xf32, #tpu.memory_space<hbm>>) dst(%arg9 : memref<200x128xf32, #tpu.memory_space<vmem>>)
        %ge3A = arith.constant 1 : i32
        %ge3A_94 = arith.cmpi sge, %add3A_72, %ge3A : i32
        %convert_element_type3A_95 = arith.extui %ge3A_94 : i1 to i32
        %cond3A_96 = arith.constant 0 : i32
        %cond3A_97 = arith.cmpi ne, %convert_element_type3A_95, %cond3A_96 : i32
        scf.if %cond3A_97 {
          %dma_wait3A_145 = arith.constant 0 : i32
          %dma_wait3A_146 = arith.constant 0 : i32
          %dma_wait3A_147 = arith.constant 0 : i32
          %dma_wait3A_148 = tpu.memref_slice %arg5[%dma_wait3A_145, %dma_wait3A_146, %dma_wait3A_147] : memref<1024x200x128xf32, #tpu.memory_space<hbm>> -> memref<1x200x128xf32, #tpu.memory_space<hbm>>
          %dma_wait3A_149 = tpu.memref_squeeze %dma_wait3A_148 : memref<1x200x128xf32, #tpu.memory_space<hbm>> -> memref<200x128xf32, #tpu.memory_space<hbm>>
          %dma_wait3A_150 = arith.constant 0 : i32
          %dma_wait3A_151 = arith.constant 0 : i32
          %dma_wait3A_152 = tpu.memref_slice %arg5[%dma_wait3A_145, %dma_wait3A_150, %dma_wait3A_151] : memref<1024x200x128xf32, #tpu.memory_space<hbm>> -> memref<1x200x128xf32, #tpu.memory_space<hbm>>
          %dma_wait3A_153 = tpu.memref_squeeze %dma_wait3A_152 : memref<1x200x128xf32, #tpu.memory_space<hbm>> -> memref<200x128xf32, #tpu.memory_space<hbm>>
          tpu.wait_dma2 semaphore(%arg14 : memref<!tpu.dma_semaphore, #tpu.memory_space<semaphore_mem>>) src(%arg8 : memref<200x128xf32, #tpu.memory_space<vmem>>) dst(%dma_wait3A_153 : memref<200x128xf32, #tpu.memory_space<hbm>>)
        } else {
        }
        %scan3A_98 = arith.constant 0 : i32
        %scan3A_99 = arith.constant 128 : i32
        %scan3A_100 = arith.addi %scan3A_98, %scan3A_99 : i32
        %scan3A_101 = arith.constant 1 : i32
        scf.for %scan3A_145 = %scan3A_98 to %scan3A_100 step %scan3A_101  : i32 {
          %mul3A_146 = arith.constant 1 : i32
          %mul3A_147 = arith.muli %scan3A_145, %mul3A_146 : i32
          %add3A_148 = arith.constant 0 : i32
          %add3A_149 = arith.addi %add3A_148, %mul3A_147 : i32
          %get3A = arith.index_cast %add3A_149 : i32 to index
          %get3A_150 = arith.constant 0 : index
          %get3A_151 = tpu.vector_load %arg7[%get3A, %get3A_150] {strides = array<i32>} : memref<200x128xf32, #tpu.memory_space<vmem>>, vector<1x16xf32>,
          %get3A_152 = vector.shape_cast %get3A_151 : vector<1x16xf32> to vector<16xf32>
          %swap3A = arith.index_cast %add3A_149 : i32 to index
          %swap3A_153 = arith.constant 0 : index
          %swap3A_154 = tpu.vector_load %arg9[%swap3A, %swap3A_153] {strides = array<i32>} : memref<200x128xf32, #tpu.memory_space<vmem>>, vector<1x16xf32>,
          %swap3A_155 = vector.shape_cast %swap3A_154 : vector<1x16xf32> to vector<16xf32>
          %swap3A_156 = vector.shape_cast %get3A_152 : vector<16xf32> to vector<1x16xf32>
          tpu.vector_store %arg9[%swap3A, %swap3A_153], %swap3A_156 {add = true, strides = array<i32>} : memref<200x128xf32, #tpu.memory_space<vmem>>, vector<1x16xf32>,
          %get3A_157 = arith.index_cast %add3A_149 : i32 to index
          %get3A_158 = arith.constant 16 : index
          %get3A_159 = tpu.vector_load %arg7[%get3A_157, %get3A_158] {strides = array<i32>} : memref<200x128xf32, #tpu.memory_space<vmem>>, vector<1x16xf32>,
          %get3A_160 = vector.shape_cast %get3A_159 : vector<1x16xf32> to vector<16xf32>
          %swap3A_161 = arith.index_cast %add3A_149 : i32 to index
          %swap3A_162 = arith.constant 16 : index
          %swap3A_163 = tpu.vector_load %arg9[%swap3A_161, %swap3A_162] {strides = array<i32>} : memref<200x128xf32, #tpu.memory_space<vmem>>, vector<1x16xf32>,
          %swap3A_164 = vector.shape_cast %swap3A_163 : vector<1x16xf32> to vector<16xf32>
          %swap3A_165 = vector.shape_cast %get3A_160 : vector<16xf32> to vector<1x16xf32>
          tpu.vector_store %arg9[%swap3A_161, %swap3A_162], %swap3A_165 {add = true, strides = array<i32>} : memref<200x128xf32, #tpu.memory_space<vmem>>, vector<1x16xf32>,
          %get3A_166 = arith.index_cast %add3A_149 : i32 to index
          %get3A_167 = arith.constant 32 : index
          %get3A_168 = tpu.vector_load %arg7[%get3A_166, %get3A_167] {strides = array<i32>} : memref<200x128xf32, #tpu.memory_space<vmem>>, vector<1x16xf32>,
          %get3A_169 = vector.shape_cast %get3A_168 : vector<1x16xf32> to vector<16xf32>
          %swap3A_170 = arith.index_cast %add3A_149 : i32 to index
          %swap3A_171 = arith.constant 32 : index
          %swap3A_172 = tpu.vector_load %arg9[%swap3A_170, %swap3A_171] {strides = array<i32>} : memref<200x128xf32, #tpu.memory_space<vmem>>, vector<1x16xf32>,
          %swap3A_173 = vector.shape_cast %swap3A_172 : vector<1x16xf32> to vector<16xf32>
          %swap3A_174 = vector.shape_cast %get3A_169 : vector<16xf32> to vector<1x16xf32>
          tpu.vector_store %arg9[%swap3A_170, %swap3A_171], %swap3A_174 {add = true, strides = array<i32>} : memref<200x128xf32, #tpu.memory_space<vmem>>, vector<1x16xf32>,
          %get3A_175 = arith.index_cast %add3A_149 : i32 to index
          %get3A_176 = arith.constant 48 : index
          %get3A_177 = tpu.vector_load %arg7[%get3A_175, %get3A_176] {strides = array<i32>} : memref<200x128xf32, #tpu.memory_space<vmem>>, vector<1x16xf32>,
          %get3A_178 = vector.shape_cast %get3A_177 : vector<1x16xf32> to vector<16xf32>
          %swap3A_179 = arith.index_cast %add3A_149 : i32 to index
          %swap3A_180 = arith.constant 48 : index
          %swap3A_181 = tpu.vector_load %arg9[%swap3A_179, %swap3A_180] {strides = array<i32>} : memref<200x128xf32, #tpu.memory_space<vmem>>, vector<1x16xf32>,
          %swap3A_182 = vector.shape_cast %swap3A_181 : vector<1x16xf32> to vector<16xf32>
          %swap3A_183 = vector.shape_cast %get3A_178 : vector<16xf32> to vector<1x16xf32>
          tpu.vector_store %arg9[%swap3A_179, %swap3A_180], %swap3A_183 {add = true, strides = array<i32>} : memref<200x128xf32, #tpu.memory_space<vmem>>, vector<1x16xf32>,
          %get3A_184 = arith.index_cast %add3A_149 : i32 to index
          %get3A_185 = arith.constant 64 : index
          %get3A_186 = tpu.vector_load %arg7[%get3A_184, %get3A_185] {strides = array<i32>} : memref<200x128xf32, #tpu.memory_space<vmem>>, vector<1x16xf32>,
          %get3A_187 = vector.shape_cast %get3A_186 : vector<1x16xf32> to vector<16xf32>
          %swap3A_188 = arith.index_cast %add3A_149 : i32 to index
          %swap3A_189 = arith.constant 64 : index
          %swap3A_190 = tpu.vector_load %arg9[%swap3A_188, %swap3A_189] {strides = array<i32>} : memref<200x128xf32, #tpu.memory_space<vmem>>, vector<1x16xf32>,
          %swap3A_191 = vector.shape_cast %swap3A_190 : vector<1x16xf32> to vector<16xf32>
          %swap3A_192 = vector.shape_cast %get3A_187 : vector<16xf32> to vector<1x16xf32>
          tpu.vector_store %arg9[%swap3A_188, %swap3A_189], %swap3A_192 {add = true, strides = array<i32>} : memref<200x128xf32, #tpu.memory_space<vmem>>, vector<1x16xf32>,
          %get3A_193 = arith.index_cast %add3A_149 : i32 to index
          %get3A_194 = arith.constant 80 : index
          %get3A_195 = tpu.vector_load %arg7[%get3A_193, %get3A_194] {strides = array<i32>} : memref<200x128xf32, #tpu.memory_space<vmem>>, vector<1x16xf32>,
          %get3A_196 = vector.shape_cast %get3A_195 : vector<1x16xf32> to vector<16xf32>
          %swap3A_197 = arith.index_cast %add3A_149 : i32 to index
          %swap3A_198 = arith.constant 80 : index
          %swap3A_199 = tpu.vector_load %arg9[%swap3A_197, %swap3A_198] {strides = array<i32>} : memref<200x128xf32, #tpu.memory_space<vmem>>, vector<1x16xf32>,
          %swap3A_200 = vector.shape_cast %swap3A_199 : vector<1x16xf32> to vector<16xf32>
          %swap3A_201 = vector.shape_cast %get3A_196 : vector<16xf32> to vector<1x16xf32>
          tpu.vector_store %arg9[%swap3A_197, %swap3A_198], %swap3A_201 {add = true, strides = array<i32>} : memref<200x128xf32, #tpu.memory_space<vmem>>, vector<1x16xf32>,
          %get3A_202 = arith.index_cast %add3A_149 : i32 to index
          %get3A_203 = arith.constant 96 : index
          %get3A_204 = tpu.vector_load %arg7[%get3A_202, %get3A_203] {strides = array<i32>} : memref<200x128xf32, #tpu.memory_space<vmem>>, vector<1x16xf32>,
          %get3A_205 = vector.shape_cast %get3A_204 : vector<1x16xf32> to vector<16xf32>
          %swap3A_206 = arith.index_cast %add3A_149 : i32 to index
          %swap3A_207 = arith.constant 96 : index
          %swap3A_208 = tpu.vector_load %arg9[%swap3A_206, %swap3A_207] {strides = array<i32>} : memref<200x128xf32, #tpu.memory_space<vmem>>, vector<1x16xf32>,
          %swap3A_209 = vector.shape_cast %swap3A_208 : vector<1x16xf32> to vector<16xf32>
          %swap3A_210 = vector.shape_cast %get3A_205 : vector<16xf32> to vector<1x16xf32>
          tpu.vector_store %arg9[%swap3A_206, %swap3A_207], %swap3A_210 {add = true, strides = array<i32>} : memref<200x128xf32, #tpu.memory_space<vmem>>, vector<1x16xf32>,
          %get3A_211 = arith.index_cast %add3A_149 : i32 to index
          %get3A_212 = arith.constant 112 : index
          %get3A_213 = tpu.vector_load %arg7[%get3A_211, %get3A_212] {strides = array<i32>} : memref<200x128xf32, #tpu.memory_space<vmem>>, vector<1x16xf32>,
          %get3A_214 = vector.shape_cast %get3A_213 : vector<1x16xf32> to vector<16xf32>
          %swap3A_215 = arith.index_cast %add3A_149 : i32 to index
          %swap3A_216 = arith.constant 112 : index
          %swap3A_217 = tpu.vector_load %arg9[%swap3A_215, %swap3A_216] {strides = array<i32>} : memref<200x128xf32, #tpu.memory_space<vmem>>, vector<1x16xf32>,
          %swap3A_218 = vector.shape_cast %swap3A_217 : vector<1x16xf32> to vector<16xf32>
          %swap3A_219 = vector.shape_cast %get3A_214 : vector<16xf32> to vector<1x16xf32>
          tpu.vector_store %arg9[%swap3A_215, %swap3A_216], %swap3A_219 {add = true, strides = array<i32>} : memref<200x128xf32, #tpu.memory_space<vmem>>, vector<1x16xf32>,
        }
        %scan3A_102 = arith.constant 128 : i32
        %add3A_103 = arith.addi %mul3A_2, %add3A_72 : i32
        %dma_start3A_104 = arith.constant 0 : i32
        %dma_start3A_105 = arith.constant 0 : i32
        %dma_start3A_106 = tpu.memref_slice %arg9[%dma_start3A_104, %dma_start3A_105] : memref<200x128xf32, #tpu.memory_space<vmem>> -> memref<128x128xf32, #tpu.memory_space<vmem>>
        %dma_start3A_107 = arith.constant 0 : i32
        %dma_start3A_108 = arith.constant 0 : i32
        %dma_start3A_109 = tpu.memref_slice %arg5[%add3A_103, %dma_start3A_107, %dma_start3A_108] : memref<1024x200x128xf32, #tpu.memory_space<hbm>> -> memref<1x128x128xf32, #tpu.memory_space<hbm>>
        %dma_start3A_110 = tpu.memref_squeeze %dma_start3A_109 : memref<1x128x128xf32, #tpu.memory_space<hbm>> -> memref<128x128xf32, #tpu.memory_space<hbm>>
        %dma_start3A_111 = arith.constant 0 : i32
        %dma_start3A_112 = arith.constant 0 : i32
        %dma_start3A_113 = tpu.memref_slice %arg5[%add3A_103, %dma_start3A_111, %dma_start3A_112] : memref<1024x200x128xf32, #tpu.memory_space<hbm>> -> memref<1x128x128xf32, #tpu.memory_space<hbm>>
        %dma_start3A_114 = tpu.memref_squeeze %dma_start3A_113 : memref<1x128x128xf32, #tpu.memory_space<hbm>> -> memref<128x128xf32, #tpu.memory_space<hbm>>
        %dma_start3A_115 = arith.constant 0 : i32
        %dma_start3A_116 = arith.constant 0 : i32
        %dma_start3A_117 = tpu.memref_slice %arg9[%dma_start3A_115, %dma_start3A_116] : memref<200x128xf32, #tpu.memory_space<vmem>> -> memref<128x128xf32, #tpu.memory_space<vmem>>
        tpu.enqueue_dma source(%dma_start3A_117 : memref<128x128xf32, #tpu.memory_space<vmem>>) target(%dma_start3A_114 : memref<128x128xf32, #tpu.memory_space<hbm>>) target_semaphore(%arg15 : memref<!tpu.dma_semaphore, #tpu.memory_space<semaphore_mem>>)
        %scan3A_118 = arith.constant 0 : i32
        %scan3A_119 = arith.constant 72 : i32
        %scan3A_120 = arith.addi %scan3A_118, %scan3A_119 : i32
        %scan3A_121 = arith.constant 1 : i32
        scf.for %scan3A_145 = %scan3A_118 to %scan3A_120 step %scan3A_121  : i32 {
          %mul3A_146 = arith.constant 1 : i32
          %mul3A_147 = arith.muli %scan3A_145, %mul3A_146 : i32
          %add3A_148 = arith.constant 128 : i32
          %add3A_149 = arith.addi %add3A_148, %mul3A_147 : i32
          %get3A = arith.index_cast %add3A_149 : i32 to index
          %get3A_150 = arith.constant 0 : index
          %get3A_151 = tpu.vector_load %arg7[%get3A, %get3A_150] {strides = array<i32>} : memref<200x128xf32, #tpu.memory_space<vmem>>, vector<1x16xf32>,
          %get3A_152 = vector.shape_cast %get3A_151 : vector<1x16xf32> to vector<16xf32>
          %swap3A = arith.index_cast %add3A_149 : i32 to index
          %swap3A_153 = arith.constant 0 : index
          %swap3A_154 = tpu.vector_load %arg9[%swap3A, %swap3A_153] {strides = array<i32>} : memref<200x128xf32, #tpu.memory_space<vmem>>, vector<1x16xf32>,
          %swap3A_155 = vector.shape_cast %swap3A_154 : vector<1x16xf32> to vector<16xf32>
          %swap3A_156 = vector.shape_cast %get3A_152 : vector<16xf32> to vector<1x16xf32>
          tpu.vector_store %arg9[%swap3A, %swap3A_153], %swap3A_156 {add = true, strides = array<i32>} : memref<200x128xf32, #tpu.memory_space<vmem>>, vector<1x16xf32>,
          %get3A_157 = arith.index_cast %add3A_149 : i32 to index
          %get3A_158 = arith.constant 16 : index
          %get3A_159 = tpu.vector_load %arg7[%get3A_157, %get3A_158] {strides = array<i32>} : memref<200x128xf32, #tpu.memory_space<vmem>>, vector<1x16xf32>,
          %get3A_160 = vector.shape_cast %get3A_159 : vector<1x16xf32> to vector<16xf32>
          %swap3A_161 = arith.index_cast %add3A_149 : i32 to index
          %swap3A_162 = arith.constant 16 : index
          %swap3A_163 = tpu.vector_load %arg9[%swap3A_161, %swap3A_162] {strides = array<i32>} : memref<200x128xf32, #tpu.memory_space<vmem>>, vector<1x16xf32>,
          %swap3A_164 = vector.shape_cast %swap3A_163 : vector<1x16xf32> to vector<16xf32>
          %swap3A_165 = vector.shape_cast %get3A_160 : vector<16xf32> to vector<1x16xf32>
          tpu.vector_store %arg9[%swap3A_161, %swap3A_162], %swap3A_165 {add = true, strides = array<i32>} : memref<200x128xf32, #tpu.memory_space<vmem>>, vector<1x16xf32>,
          %get3A_166 = arith.index_cast %add3A_149 : i32 to index
          %get3A_167 = arith.constant 32 : index
          %get3A_168 = tpu.vector_load %arg7[%get3A_166, %get3A_167] {strides = array<i32>} : memref<200x128xf32, #tpu.memory_space<vmem>>, vector<1x16xf32>,
          %get3A_169 = vector.shape_cast %get3A_168 : vector<1x16xf32> to vector<16xf32>
          %swap3A_170 = arith.index_cast %add3A_149 : i32 to index
          %swap3A_171 = arith.constant 32 : index
          %swap3A_172 = tpu.vector_load %arg9[%swap3A_170, %swap3A_171] {strides = array<i32>} : memref<200x128xf32, #tpu.memory_space<vmem>>, vector<1x16xf32>,
          %swap3A_173 = vector.shape_cast %swap3A_172 : vector<1x16xf32> to vector<16xf32>
          %swap3A_174 = vector.shape_cast %get3A_169 : vector<16xf32> to vector<1x16xf32>
          tpu.vector_store %arg9[%swap3A_170, %swap3A_171], %swap3A_174 {add = true, strides = array<i32>} : memref<200x128xf32, #tpu.memory_space<vmem>>, vector<1x16xf32>,
          %get3A_175 = arith.index_cast %add3A_149 : i32 to index
          %get3A_176 = arith.constant 48 : index
          %get3A_177 = tpu.vector_load %arg7[%get3A_175, %get3A_176] {strides = array<i32>} : memref<200x128xf32, #tpu.memory_space<vmem>>, vector<1x16xf32>,
          %get3A_178 = vector.shape_cast %get3A_177 : vector<1x16xf32> to vector<16xf32>
          %swap3A_179 = arith.index_cast %add3A_149 : i32 to index
          %swap3A_180 = arith.constant 48 : index
          %swap3A_181 = tpu.vector_load %arg9[%swap3A_179, %swap3A_180] {strides = array<i32>} : memref<200x128xf32, #tpu.memory_space<vmem>>, vector<1x16xf32>,
          %swap3A_182 = vector.shape_cast %swap3A_181 : vector<1x16xf32> to vector<16xf32>
          %swap3A_183 = vector.shape_cast %get3A_178 : vector<16xf32> to vector<1x16xf32>
          tpu.vector_store %arg9[%swap3A_179, %swap3A_180], %swap3A_183 {add = true, strides = array<i32>} : memref<200x128xf32, #tpu.memory_space<vmem>>, vector<1x16xf32>,
          %get3A_184 = arith.index_cast %add3A_149 : i32 to index
          %get3A_185 = arith.constant 64 : index
          %get3A_186 = tpu.vector_load %arg7[%get3A_184, %get3A_185] {strides = array<i32>} : memref<200x128xf32, #tpu.memory_space<vmem>>, vector<1x16xf32>,
          %get3A_187 = vector.shape_cast %get3A_186 : vector<1x16xf32> to vector<16xf32>
          %swap3A_188 = arith.index_cast %add3A_149 : i32 to index
          %swap3A_189 = arith.constant 64 : index
          %swap3A_190 = tpu.vector_load %arg9[%swap3A_188, %swap3A_189] {strides = array<i32>} : memref<200x128xf32, #tpu.memory_space<vmem>>, vector<1x16xf32>,
          %swap3A_191 = vector.shape_cast %swap3A_190 : vector<1x16xf32> to vector<16xf32>
          %swap3A_192 = vector.shape_cast %get3A_187 : vector<16xf32> to vector<1x16xf32>
          tpu.vector_store %arg9[%swap3A_188, %swap3A_189], %swap3A_192 {add = true, strides = array<i32>} : memref<200x128xf32, #tpu.memory_space<vmem>>, vector<1x16xf32>,
          %get3A_193 = arith.index_cast %add3A_149 : i32 to index
          %get3A_194 = arith.constant 80 : index
          %get3A_195 = tpu.vector_load %arg7[%get3A_193, %get3A_194] {strides = array<i32>} : memref<200x128xf32, #tpu.memory_space<vmem>>, vector<1x16xf32>,
          %get3A_196 = vector.shape_cast %get3A_195 : vector<1x16xf32> to vector<16xf32>
          %swap3A_197 = arith.index_cast %add3A_149 : i32 to index
          %swap3A_198 = arith.constant 80 : index
          %swap3A_199 = tpu.vector_load %arg9[%swap3A_197, %swap3A_198] {strides = array<i32>} : memref<200x128xf32, #tpu.memory_space<vmem>>, vector<1x16xf32>,
          %swap3A_200 = vector.shape_cast %swap3A_199 : vector<1x16xf32> to vector<16xf32>
          %swap3A_201 = vector.shape_cast %get3A_196 : vector<16xf32> to vector<1x16xf32>
          tpu.vector_store %arg9[%swap3A_197, %swap3A_198], %swap3A_201 {add = true, strides = array<i32>} : memref<200x128xf32, #tpu.memory_space<vmem>>, vector<1x16xf32>,
          %get3A_202 = arith.index_cast %add3A_149 : i32 to index
          %get3A_203 = arith.constant 96 : index
          %get3A_204 = tpu.vector_load %arg7[%get3A_202, %get3A_203] {strides = array<i32>} : memref<200x128xf32, #tpu.memory_space<vmem>>, vector<1x16xf32>,
          %get3A_205 = vector.shape_cast %get3A_204 : vector<1x16xf32> to vector<16xf32>
          %swap3A_206 = arith.index_cast %add3A_149 : i32 to index
          %swap3A_207 = arith.constant 96 : index
          %swap3A_208 = tpu.vector_load %arg9[%swap3A_206, %swap3A_207] {strides = array<i32>} : memref<200x128xf32, #tpu.memory_space<vmem>>, vector<1x16xf32>,
          %swap3A_209 = vector.shape_cast %swap3A_208 : vector<1x16xf32> to vector<16xf32>
          %swap3A_210 = vector.shape_cast %get3A_205 : vector<16xf32> to vector<1x16xf32>
          tpu.vector_store %arg9[%swap3A_206, %swap3A_207], %swap3A_210 {add = true, strides = array<i32>} : memref<200x128xf32, #tpu.memory_space<vmem>>, vector<1x16xf32>,
          %get3A_211 = arith.index_cast %add3A_149 : i32 to index
          %get3A_212 = arith.constant 112 : index
          %get3A_213 = tpu.vector_load %arg7[%get3A_211, %get3A_212] {strides = array<i32>} : memref<200x128xf32, #tpu.memory_space<vmem>>, vector<1x16xf32>,
          %get3A_214 = vector.shape_cast %get3A_213 : vector<1x16xf32> to vector<16xf32>
          %swap3A_215 = arith.index_cast %add3A_149 : i32 to index
          %swap3A_216 = arith.constant 112 : index
          %swap3A_217 = tpu.vector_load %arg9[%swap3A_215, %swap3A_216] {strides = array<i32>} : memref<200x128xf32, #tpu.memory_space<vmem>>, vector<1x16xf32>,
          %swap3A_218 = vector.shape_cast %swap3A_217 : vector<1x16xf32> to vector<16xf32>
          %swap3A_219 = vector.shape_cast %get3A_214 : vector<16xf32> to vector<1x16xf32>
          tpu.vector_store %arg9[%swap3A_215, %swap3A_216], %swap3A_219 {add = true, strides = array<i32>} : memref<200x128xf32, #tpu.memory_space<vmem>>, vector<1x16xf32>,
        }
        %scan3A_122 = arith.constant 72 : i32
        %add3A_123 = arith.addi %mul3A_2, %add3A_72 : i32
        %dma_start3A_124 = arith.constant 128 : i32
        %dma_start3A_125 = arith.constant 0 : i32
        %dma_start3A_126 = tpu.memref_slice %arg9[%dma_start3A_124, %dma_start3A_125] : memref<200x128xf32, #tpu.memory_space<vmem>> -> memref<72x128xf32, #tpu.memory_space<vmem>>
        %dma_start3A_127 = arith.constant 128 : i32
        %dma_start3A_128 = arith.constant 0 : i32
        %dma_start3A_129 = tpu.memref_slice %arg5[%add3A_123, %dma_start3A_127, %dma_start3A_128] : memref<1024x200x128xf32, #tpu.memory_space<hbm>> -> memref<1x72x128xf32, #tpu.memory_space<hbm>>
        %dma_start3A_130 = tpu.memref_squeeze %dma_start3A_129 : memref<1x72x128xf32, #tpu.memory_space<hbm>> -> memref<72x128xf32, #tpu.memory_space<hbm>>
        %dma_start3A_131 = arith.constant 128 : i32
        %dma_start3A_132 = arith.constant 0 : i32
        %dma_start3A_133 = tpu.memref_slice %arg5[%add3A_123, %dma_start3A_131, %dma_start3A_132] : memref<1024x200x128xf32, #tpu.memory_space<hbm>> -> memref<1x72x128xf32, #tpu.memory_space<hbm>>
        %dma_start3A_134 = tpu.memref_squeeze %dma_start3A_133 : memref<1x72x128xf32, #tpu.memory_space<hbm>> -> memref<72x128xf32, #tpu.memory_space<hbm>>
        %dma_start3A_135 = arith.constant 128 : i32
        %dma_start3A_136 = arith.constant 0 : i32
        %dma_start3A_137 = tpu.memref_slice %arg9[%dma_start3A_135, %dma_start3A_136] : memref<200x128xf32, #tpu.memory_space<vmem>> -> memref<72x128xf32, #tpu.memory_space<vmem>>
        tpu.enqueue_dma source(%dma_start3A_137 : memref<72x128xf32, #tpu.memory_space<vmem>>) target(%dma_start3A_134 : memref<72x128xf32, #tpu.memory_space<hbm>>) target_semaphore(%arg15 : memref<!tpu.dma_semaphore, #tpu.memory_space<semaphore_mem>>)
        %add3A_138 = arith.constant 2 : i32
        %add3A_139 = arith.addi %add3A_72, %add3A_138 : i32
        %lt3A_140 = arith.constant 32 : i32
        %lt3A_141 = arith.cmpi slt, %add3A_139, %lt3A_140 : i32
        %convert_element_type3A_142 = arith.extui %lt3A_141 : i1 to i32
        %cond3A_143 = arith.constant 0 : i32
        %cond3A_144 = arith.cmpi ne, %convert_element_type3A_142, %cond3A_143 : i32
        scf.if %cond3A_144 {
          %add3A_145 = arith.constant 2 : i32
          %add3A_146 = arith.addi %add3A_72, %add3A_145 : i32
          %dma_start3A_147 = arith.constant 0 : i32
          %dma_start3A_148 = arith.constant 0 : i32
          %dma_start3A_149 = tpu.memref_slice %arg8[%dma_start3A_147, %dma_start3A_148] : memref<200x128xf32, #tpu.memory_space<vmem>> -> memref<128x128xf32, #tpu.memory_space<vmem>>
          %dma_start3A_150 = arith.constant 0 : i32
          %dma_start3A_151 = tpu.memref_slice %arg6[%add3A_146, %dma_start3A_150] : memref<32x200xi32, #tpu.memory_space<vmem>> -> memref<1x128xi32, #tpu.memory_space<vmem>>
          %dma_start3A_152 = tpu.memref_squeeze %dma_start3A_151 : memref<1x128xi32, #tpu.memory_space<vmem>> -> memref<128xi32, #tpu.memory_space<vmem>>
          %dma_start3A_153 = arith.constant 0 : i32
          %dma_start3A_154 = arith.constant 0 : i32
          %dma_start3A_155 = tpu.memref_slice %arg3[%dma_start3A_153, %dma_start3A_154] : memref<100000x128xf32, #tpu.memory_space<hbm>> -> memref<100000x128xf32, #tpu.memory_space<hbm>>
          tpu.enqueue_indirect_dma source(%dma_start3A_155 : memref<100000x128xf32, #tpu.memory_space<hbm>>) target(%dma_start3A_149 : memref<128x128xf32, #tpu.memory_space<vmem>>) offsets(%dma_start3A_152 : memref<128xi32, #tpu.memory_space<vmem>>) semaphore(%arg11 : memref<!tpu.dma_semaphore, #tpu.memory_space<semaphore_mem>>)
          %dma_start3A_156 = arith.constant 128 : i32
          %dma_start3A_157 = arith.constant 0 : i32
          %dma_start3A_158 = tpu.memref_slice %arg8[%dma_start3A_156, %dma_start3A_157] : memref<200x128xf32, #tpu.memory_space<vmem>> -> memref<72x128xf32, #tpu.memory_space<vmem>>
          %dma_start3A_159 = arith.constant 128 : i32
          %dma_start3A_160 = tpu.memref_slice %arg6[%add3A_146, %dma_start3A_159] : memref<32x200xi32, #tpu.memory_space<vmem>> -> memref<1x72xi32, #tpu.memory_space<vmem>>
          %dma_start3A_161 = tpu.memref_squeeze %dma_start3A_160 : memref<1x72xi32, #tpu.memory_space<vmem>> -> memref<72xi32, #tpu.memory_space<vmem>>
          %dma_start3A_162 = arith.constant 0 : i32
          %dma_start3A_163 = arith.constant 0 : i32
          %dma_start3A_164 = tpu.memref_slice %arg3[%dma_start3A_162, %dma_start3A_163] : memref<100000x128xf32, #tpu.memory_space<hbm>> -> memref<100000x128xf32, #tpu.memory_space<hbm>>
          tpu.enqueue_indirect_dma source(%dma_start3A_164 : memref<100000x128xf32, #tpu.memory_space<hbm>>) target(%dma_start3A_158 : memref<72x128xf32, #tpu.memory_space<vmem>>) offsets(%dma_start3A_161 : memref<72xi32, #tpu.memory_space<vmem>>) semaphore(%arg11 : memref<!tpu.dma_semaphore, #tpu.memory_space<semaphore_mem>>)
        } else {
        }
      } else {
      }
      %add3A_78 = arith.constant 2 : i32
      %add3A_79 = arith.addi %add3A_66, %add3A_78 : i32
      %lt3A_80 = arith.constant 32 : i32
      %lt3A_81 = arith.cmpi slt, %add3A_79, %lt3A_80 : i32
      %convert_element_type3A_82 = arith.extui %lt3A_81 : i1 to i32
      %cond3A_83 = arith.constant 0 : i32
      %cond3A_84 = arith.cmpi ne, %convert_element_type3A_82, %cond3A_83 : i32
      scf.if %cond3A_84 {
        %dma_wait3A_85 = arith.constant 0 : i32
        %dma_wait3A_86 = arith.constant 0 : i32
        %dma_wait3A_87 = arith.constant 0 : i32
        %dma_wait3A_88 = tpu.memref_slice %arg5[%dma_wait3A_85, %dma_wait3A_86, %dma_wait3A_87] : memref<1024x200x128xf32, #tpu.memory_space<hbm>> -> memref<1x200x128xf32, #tpu.memory_space<hbm>>
        %dma_wait3A_89 = tpu.memref_squeeze %dma_wait3A_88 : memref<1x200x128xf32, #tpu.memory_space<hbm>> -> memref<200x128xf32, #tpu.memory_space<hbm>>
        %dma_wait3A_90 = arith.constant 0 : i32
        %dma_wait3A_91 = arith.constant 0 : i32
        %dma_wait3A_92 = tpu.memref_slice %arg5[%dma_wait3A_85, %dma_wait3A_90, %dma_wait3A_91] : memref<1024x200x128xf32, #tpu.memory_space<hbm>> -> memref<1x200x128xf32, #tpu.memory_space<hbm>>
        %dma_wait3A_93 = tpu.memref_squeeze %dma_wait3A_92 : memref<1x200x128xf32, #tpu.memory_space<hbm>> -> memref<200x128xf32, #tpu.memory_space<hbm>>
        tpu.wait_dma2 semaphore(%arg13 : memref<!tpu.dma_semaphore, #tpu.memory_space<semaphore_mem>>) src(%dma_wait3A_93 : memref<200x128xf32, #tpu.memory_space<hbm>>) dst(%arg10 : memref<200x128xf32, #tpu.memory_space<vmem>>)
        %ge3A = arith.constant 1 : i32
        %ge3A_94 = arith.cmpi sge, %add3A_79, %ge3A : i32
        %convert_element_type3A_95 = arith.extui %ge3A_94 : i1 to i32
        %cond3A_96 = arith.constant 0 : i32
        %cond3A_97 = arith.cmpi ne, %convert_element_type3A_95, %cond3A_96 : i32
        scf.if %cond3A_97 {
          %dma_wait3A_145 = arith.constant 0 : i32
          %dma_wait3A_146 = arith.constant 0 : i32
          %dma_wait3A_147 = arith.constant 0 : i32
          %dma_wait3A_148 = tpu.memref_slice %arg5[%dma_wait3A_145, %dma_wait3A_146, %dma_wait3A_147] : memref<1024x200x128xf32, #tpu.memory_space<hbm>> -> memref<1x200x128xf32, #tpu.memory_space<hbm>>
          %dma_wait3A_149 = tpu.memref_squeeze %dma_wait3A_148 : memref<1x200x128xf32, #tpu.memory_space<hbm>> -> memref<200x128xf32, #tpu.memory_space<hbm>>
          %dma_wait3A_150 = arith.constant 0 : i32
          %dma_wait3A_151 = arith.constant 0 : i32
          %dma_wait3A_152 = tpu.memref_slice %arg5[%dma_wait3A_145, %dma_wait3A_150, %dma_wait3A_151] : memref<1024x200x128xf32, #tpu.memory_space<hbm>> -> memref<1x200x128xf32, #tpu.memory_space<hbm>>
          %dma_wait3A_153 = tpu.memref_squeeze %dma_wait3A_152 : memref<1x200x128xf32, #tpu.memory_space<hbm>> -> memref<200x128xf32, #tpu.memory_space<hbm>>
          tpu.wait_dma2 semaphore(%arg15 : memref<!tpu.dma_semaphore, #tpu.memory_space<semaphore_mem>>) src(%arg9 : memref<200x128xf32, #tpu.memory_space<vmem>>) dst(%dma_wait3A_153 : memref<200x128xf32, #tpu.memory_space<hbm>>)
        } else {
        }
        %scan3A_98 = arith.constant 0 : i32
        %scan3A_99 = arith.constant 128 : i32
        %scan3A_100 = arith.addi %scan3A_98, %scan3A_99 : i32
        %scan3A_101 = arith.constant 1 : i32
        scf.for %scan3A_145 = %scan3A_98 to %scan3A_100 step %scan3A_101  : i32 {
          %mul3A_146 = arith.constant 1 : i32
          %mul3A_147 = arith.muli %scan3A_145, %mul3A_146 : i32
          %add3A_148 = arith.constant 0 : i32
          %add3A_149 = arith.addi %add3A_148, %mul3A_147 : i32
          %get3A = arith.index_cast %add3A_149 : i32 to index
          %get3A_150 = arith.constant 0 : index
          %get3A_151 = tpu.vector_load %arg7[%get3A, %get3A_150] {strides = array<i32>} : memref<200x128xf32, #tpu.memory_space<vmem>>, vector<1x16xf32>,
          %get3A_152 = vector.shape_cast %get3A_151 : vector<1x16xf32> to vector<16xf32>
          %swap3A = arith.index_cast %add3A_149 : i32 to index
          %swap3A_153 = arith.constant 0 : index
          %swap3A_154 = tpu.vector_load %arg10[%swap3A, %swap3A_153] {strides = array<i32>} : memref<200x128xf32, #tpu.memory_space<vmem>>, vector<1x16xf32>,
          %swap3A_155 = vector.shape_cast %swap3A_154 : vector<1x16xf32> to vector<16xf32>
          %swap3A_156 = vector.shape_cast %get3A_152 : vector<16xf32> to vector<1x16xf32>
          tpu.vector_store %arg10[%swap3A, %swap3A_153], %swap3A_156 {add = true, strides = array<i32>} : memref<200x128xf32, #tpu.memory_space<vmem>>, vector<1x16xf32>,
          %get3A_157 = arith.index_cast %add3A_149 : i32 to index
          %get3A_158 = arith.constant 16 : index
          %get3A_159 = tpu.vector_load %arg7[%get3A_157, %get3A_158] {strides = array<i32>} : memref<200x128xf32, #tpu.memory_space<vmem>>, vector<1x16xf32>,
          %get3A_160 = vector.shape_cast %get3A_159 : vector<1x16xf32> to vector<16xf32>
          %swap3A_161 = arith.index_cast %add3A_149 : i32 to index
          %swap3A_162 = arith.constant 16 : index
          %swap3A_163 = tpu.vector_load %arg10[%swap3A_161, %swap3A_162] {strides = array<i32>} : memref<200x128xf32, #tpu.memory_space<vmem>>, vector<1x16xf32>,
          %swap3A_164 = vector.shape_cast %swap3A_163 : vector<1x16xf32> to vector<16xf32>
          %swap3A_165 = vector.shape_cast %get3A_160 : vector<16xf32> to vector<1x16xf32>
          tpu.vector_store %arg10[%swap3A_161, %swap3A_162], %swap3A_165 {add = true, strides = array<i32>} : memref<200x128xf32, #tpu.memory_space<vmem>>, vector<1x16xf32>,
          %get3A_166 = arith.index_cast %add3A_149 : i32 to index
          %get3A_167 = arith.constant 32 : index
          %get3A_168 = tpu.vector_load %arg7[%get3A_166, %get3A_167] {strides = array<i32>} : memref<200x128xf32, #tpu.memory_space<vmem>>, vector<1x16xf32>,
          %get3A_169 = vector.shape_cast %get3A_168 : vector<1x16xf32> to vector<16xf32>
          %swap3A_170 = arith.index_cast %add3A_149 : i32 to index
          %swap3A_171 = arith.constant 32 : index
          %swap3A_172 = tpu.vector_load %arg10[%swap3A_170, %swap3A_171] {strides = array<i32>} : memref<200x128xf32, #tpu.memory_space<vmem>>, vector<1x16xf32>,
          %swap3A_173 = vector.shape_cast %swap3A_172 : vector<1x16xf32> to vector<16xf32>
          %swap3A_174 = vector.shape_cast %get3A_169 : vector<16xf32> to vector<1x16xf32>
          tpu.vector_store %arg10[%swap3A_170, %swap3A_171], %swap3A_174 {add = true, strides = array<i32>} : memref<200x128xf32, #tpu.memory_space<vmem>>, vector<1x16xf32>,
          %get3A_175 = arith.index_cast %add3A_149 : i32 to index
          %get3A_176 = arith.constant 48 : index
          %get3A_177 = tpu.vector_load %arg7[%get3A_175, %get3A_176] {strides = array<i32>} : memref<200x128xf32, #tpu.memory_space<vmem>>, vector<1x16xf32>,
          %get3A_178 = vector.shape_cast %get3A_177 : vector<1x16xf32> to vector<16xf32>
          %swap3A_179 = arith.index_cast %add3A_149 : i32 to index
          %swap3A_180 = arith.constant 48 : index
          %swap3A_181 = tpu.vector_load %arg10[%swap3A_179, %swap3A_180] {strides = array<i32>} : memref<200x128xf32, #tpu.memory_space<vmem>>, vector<1x16xf32>,
          %swap3A_182 = vector.shape_cast %swap3A_181 : vector<1x16xf32> to vector<16xf32>
          %swap3A_183 = vector.shape_cast %get3A_178 : vector<16xf32> to vector<1x16xf32>
          tpu.vector_store %arg10[%swap3A_179, %swap3A_180], %swap3A_183 {add = true, strides = array<i32>} : memref<200x128xf32, #tpu.memory_space<vmem>>, vector<1x16xf32>,
          %get3A_184 = arith.index_cast %add3A_149 : i32 to index
          %get3A_185 = arith.constant 64 : index
          %get3A_186 = tpu.vector_load %arg7[%get3A_184, %get3A_185] {strides = array<i32>} : memref<200x128xf32, #tpu.memory_space<vmem>>, vector<1x16xf32>,
          %get3A_187 = vector.shape_cast %get3A_186 : vector<1x16xf32> to vector<16xf32>
          %swap3A_188 = arith.index_cast %add3A_149 : i32 to index
          %swap3A_189 = arith.constant 64 : index
          %swap3A_190 = tpu.vector_load %arg10[%swap3A_188, %swap3A_189] {strides = array<i32>} : memref<200x128xf32, #tpu.memory_space<vmem>>, vector<1x16xf32>,
          %swap3A_191 = vector.shape_cast %swap3A_190 : vector<1x16xf32> to vector<16xf32>
          %swap3A_192 = vector.shape_cast %get3A_187 : vector<16xf32> to vector<1x16xf32>
          tpu.vector_store %arg10[%swap3A_188, %swap3A_189], %swap3A_192 {add = true, strides = array<i32>} : memref<200x128xf32, #tpu.memory_space<vmem>>, vector<1x16xf32>,
          %get3A_193 = arith.index_cast %add3A_149 : i32 to index
          %get3A_194 = arith.constant 80 : index
          %get3A_195 = tpu.vector_load %arg7[%get3A_193, %get3A_194] {strides = array<i32>} : memref<200x128xf32, #tpu.memory_space<vmem>>, vector<1x16xf32>,
          %get3A_196 = vector.shape_cast %get3A_195 : vector<1x16xf32> to vector<16xf32>
          %swap3A_197 = arith.index_cast %add3A_149 : i32 to index
          %swap3A_198 = arith.constant 80 : index
          %swap3A_199 = tpu.vector_load %arg10[%swap3A_197, %swap3A_198] {strides = array<i32>} : memref<200x128xf32, #tpu.memory_space<vmem>>, vector<1x16xf32>,
          %swap3A_200 = vector.shape_cast %swap3A_199 : vector<1x16xf32> to vector<16xf32>
          %swap3A_201 = vector.shape_cast %get3A_196 : vector<16xf32> to vector<1x16xf32>
          tpu.vector_store %arg10[%swap3A_197, %swap3A_198], %swap3A_201 {add = true, strides = array<i32>} : memref<200x128xf32, #tpu.memory_space<vmem>>, vector<1x16xf32>,
          %get3A_202 = arith.index_cast %add3A_149 : i32 to index
          %get3A_203 = arith.constant 96 : index
          %get3A_204 = tpu.vector_load %arg7[%get3A_202, %get3A_203] {strides = array<i32>} : memref<200x128xf32, #tpu.memory_space<vmem>>, vector<1x16xf32>,
          %get3A_205 = vector.shape_cast %get3A_204 : vector<1x16xf32> to vector<16xf32>
          %swap3A_206 = arith.index_cast %add3A_149 : i32 to index
          %swap3A_207 = arith.constant 96 : index
          %swap3A_208 = tpu.vector_load %arg10[%swap3A_206, %swap3A_207] {strides = array<i32>} : memref<200x128xf32, #tpu.memory_space<vmem>>, vector<1x16xf32>,
          %swap3A_209 = vector.shape_cast %swap3A_208 : vector<1x16xf32> to vector<16xf32>
          %swap3A_210 = vector.shape_cast %get3A_205 : vector<16xf32> to vector<1x16xf32>
          tpu.vector_store %arg10[%swap3A_206, %swap3A_207], %swap3A_210 {add = true, strides = array<i32>} : memref<200x128xf32, #tpu.memory_space<vmem>>, vector<1x16xf32>,
          %get3A_211 = arith.index_cast %add3A_149 : i32 to index
          %get3A_212 = arith.constant 112 : index
          %get3A_213 = tpu.vector_load %arg7[%get3A_211, %get3A_212] {strides = array<i32>} : memref<200x128xf32, #tpu.memory_space<vmem>>, vector<1x16xf32>,
          %get3A_214 = vector.shape_cast %get3A_213 : vector<1x16xf32> to vector<16xf32>
          %swap3A_215 = arith.index_cast %add3A_149 : i32 to index
          %swap3A_216 = arith.constant 112 : index
          %swap3A_217 = tpu.vector_load %arg10[%swap3A_215, %swap3A_216] {strides = array<i32>} : memref<200x128xf32, #tpu.memory_space<vmem>>, vector<1x16xf32>,
          %swap3A_218 = vector.shape_cast %swap3A_217 : vector<1x16xf32> to vector<16xf32>
          %swap3A_219 = vector.shape_cast %get3A_214 : vector<16xf32> to vector<1x16xf32>
          tpu.vector_store %arg10[%swap3A_215, %swap3A_216], %swap3A_219 {add = true, strides = array<i32>} : memref<200x128xf32, #tpu.memory_space<vmem>>, vector<1x16xf32>,
        }
        %scan3A_102 = arith.constant 128 : i32
        %add3A_103 = arith.addi %mul3A_2, %add3A_79 : i32
        %dma_start3A_104 = arith.constant 0 : i32
        %dma_start3A_105 = arith.constant 0 : i32
        %dma_start3A_106 = tpu.memref_slice %arg10[%dma_start3A_104, %dma_start3A_105] : memref<200x128xf32, #tpu.memory_space<vmem>> -> memref<128x128xf32, #tpu.memory_space<vmem>>
        %dma_start3A_107 = arith.constant 0 : i32
        %dma_start3A_108 = arith.constant 0 : i32
        %dma_start3A_109 = tpu.memref_slice %arg5[%add3A_103, %dma_start3A_107, %dma_start3A_108] : memref<1024x200x128xf32, #tpu.memory_space<hbm>> -> memref<1x128x128xf32, #tpu.memory_space<hbm>>
        %dma_start3A_110 = tpu.memref_squeeze %dma_start3A_109 : memref<1x128x128xf32, #tpu.memory_space<hbm>> -> memref<128x128xf32, #tpu.memory_space<hbm>>
        %dma_start3A_111 = arith.constant 0 : i32
        %dma_start3A_112 = arith.constant 0 : i32
        %dma_start3A_113 = tpu.memref_slice %arg5[%add3A_103, %dma_start3A_111, %dma_start3A_112] : memref<1024x200x128xf32, #tpu.memory_space<hbm>> -> memref<1x128x128xf32, #tpu.memory_space<hbm>>
        %dma_start3A_114 = tpu.memref_squeeze %dma_start3A_113 : memref<1x128x128xf32, #tpu.memory_space<hbm>> -> memref<128x128xf32, #tpu.memory_space<hbm>>
        %dma_start3A_115 = arith.constant 0 : i32
        %dma_start3A_116 = arith.constant 0 : i32
        %dma_start3A_117 = tpu.memref_slice %arg10[%dma_start3A_115, %dma_start3A_116] : memref<200x128xf32, #tpu.memory_space<vmem>> -> memref<128x128xf32, #tpu.memory_space<vmem>>
        tpu.enqueue_dma source(%dma_start3A_117 : memref<128x128xf32, #tpu.memory_space<vmem>>) target(%dma_start3A_114 : memref<128x128xf32, #tpu.memory_space<hbm>>) target_semaphore(%arg16 : memref<!tpu.dma_semaphore, #tpu.memory_space<semaphore_mem>>)
        %scan3A_118 = arith.constant 0 : i32
        %scan3A_119 = arith.constant 72 : i32
        %scan3A_120 = arith.addi %scan3A_118, %scan3A_119 : i32
        %scan3A_121 = arith.constant 1 : i32
        scf.for %scan3A_145 = %scan3A_118 to %scan3A_120 step %scan3A_121  : i32 {
          %mul3A_146 = arith.constant 1 : i32
          %mul3A_147 = arith.muli %scan3A_145, %mul3A_146 : i32
          %add3A_148 = arith.constant 128 : i32
          %add3A_149 = arith.addi %add3A_148, %mul3A_147 : i32
          %get3A = arith.index_cast %add3A_149 : i32 to index
          %get3A_150 = arith.constant 0 : index
          %get3A_151 = tpu.vector_load %arg7[%get3A, %get3A_150] {strides = array<i32>} : memref<200x128xf32, #tpu.memory_space<vmem>>, vector<1x16xf32>,
          %get3A_152 = vector.shape_cast %get3A_151 : vector<1x16xf32> to vector<16xf32>
          %swap3A = arith.index_cast %add3A_149 : i32 to index
          %swap3A_153 = arith.constant 0 : index
          %swap3A_154 = tpu.vector_load %arg10[%swap3A, %swap3A_153] {strides = array<i32>} : memref<200x128xf32, #tpu.memory_space<vmem>>, vector<1x16xf32>,
          %swap3A_155 = vector.shape_cast %swap3A_154 : vector<1x16xf32> to vector<16xf32>
          %swap3A_156 = vector.shape_cast %get3A_152 : vector<16xf32> to vector<1x16xf32>
          tpu.vector_store %arg10[%swap3A, %swap3A_153], %swap3A_156 {add = true, strides = array<i32>} : memref<200x128xf32, #tpu.memory_space<vmem>>, vector<1x16xf32>,
          %get3A_157 = arith.index_cast %add3A_149 : i32 to index
          %get3A_158 = arith.constant 16 : index
          %get3A_159 = tpu.vector_load %arg7[%get3A_157, %get3A_158] {strides = array<i32>} : memref<200x128xf32, #tpu.memory_space<vmem>>, vector<1x16xf32>,
          %get3A_160 = vector.shape_cast %get3A_159 : vector<1x16xf32> to vector<16xf32>
          %swap3A_161 = arith.index_cast %add3A_149 : i32 to index
          %swap3A_162 = arith.constant 16 : index
          %swap3A_163 = tpu.vector_load %arg10[%swap3A_161, %swap3A_162] {strides = array<i32>} : memref<200x128xf32, #tpu.memory_space<vmem>>, vector<1x16xf32>,
          %swap3A_164 = vector.shape_cast %swap3A_163 : vector<1x16xf32> to vector<16xf32>
          %swap3A_165 = vector.shape_cast %get3A_160 : vector<16xf32> to vector<1x16xf32>
          tpu.vector_store %arg10[%swap3A_161, %swap3A_162], %swap3A_165 {add = true, strides = array<i32>} : memref<200x128xf32, #tpu.memory_space<vmem>>, vector<1x16xf32>,
          %get3A_166 = arith.index_cast %add3A_149 : i32 to index
          %get3A_167 = arith.constant 32 : index
          %get3A_168 = tpu.vector_load %arg7[%get3A_166, %get3A_167] {strides = array<i32>} : memref<200x128xf32, #tpu.memory_space<vmem>>, vector<1x16xf32>,
          %get3A_169 = vector.shape_cast %get3A_168 : vector<1x16xf32> to vector<16xf32>
          %swap3A_170 = arith.index_cast %add3A_149 : i32 to index
          %swap3A_171 = arith.constant 32 : index
          %swap3A_172 = tpu.vector_load %arg10[%swap3A_170, %swap3A_171] {strides = array<i32>} : memref<200x128xf32, #tpu.memory_space<vmem>>, vector<1x16xf32>,
          %swap3A_173 = vector.shape_cast %swap3A_172 : vector<1x16xf32> to vector<16xf32>
          %swap3A_174 = vector.shape_cast %get3A_169 : vector<16xf32> to vector<1x16xf32>
          tpu.vector_store %arg10[%swap3A_170, %swap3A_171], %swap3A_174 {add = true, strides = array<i32>} : memref<200x128xf32, #tpu.memory_space<vmem>>, vector<1x16xf32>,
          %get3A_175 = arith.index_cast %add3A_149 : i32 to index
          %get3A_176 = arith.constant 48 : index
          %get3A_177 = tpu.vector_load %arg7[%get3A_175, %get3A_176] {strides = array<i32>} : memref<200x128xf32, #tpu.memory_space<vmem>>, vector<1x16xf32>,
          %get3A_178 = vector.shape_cast %get3A_177 : vector<1x16xf32> to vector<16xf32>
          %swap3A_179 = arith.index_cast %add3A_149 : i32 to index
          %swap3A_180 = arith.constant 48 : index
          %swap3A_181 = tpu.vector_load %arg10[%swap3A_179, %swap3A_180] {strides = array<i32>} : memref<200x128xf32, #tpu.memory_space<vmem>>, vector<1x16xf32>,
          %swap3A_182 = vector.shape_cast %swap3A_181 : vector<1x16xf32> to vector<16xf32>
          %swap3A_183 = vector.shape_cast %get3A_178 : vector<16xf32> to vector<1x16xf32>
          tpu.vector_store %arg10[%swap3A_179, %swap3A_180], %swap3A_183 {add = true, strides = array<i32>} : memref<200x128xf32, #tpu.memory_space<vmem>>, vector<1x16xf32>,
          %get3A_184 = arith.index_cast %add3A_149 : i32 to index
          %get3A_185 = arith.constant 64 : index
          %get3A_186 = tpu.vector_load %arg7[%get3A_184, %get3A_185] {strides = array<i32>} : memref<200x128xf32, #tpu.memory_space<vmem>>, vector<1x16xf32>,
          %get3A_187 = vector.shape_cast %get3A_186 : vector<1x16xf32> to vector<16xf32>
          %swap3A_188 = arith.index_cast %add3A_149 : i32 to index
          %swap3A_189 = arith.constant 64 : index
          %swap3A_190 = tpu.vector_load %arg10[%swap3A_188, %swap3A_189] {strides = array<i32>} : memref<200x128xf32, #tpu.memory_space<vmem>>, vector<1x16xf32>,
          %swap3A_191 = vector.shape_cast %swap3A_190 : vector<1x16xf32> to vector<16xf32>
          %swap3A_192 = vector.shape_cast %get3A_187 : vector<16xf32> to vector<1x16xf32>
          tpu.vector_store %arg10[%swap3A_188, %swap3A_189], %swap3A_192 {add = true, strides = array<i32>} : memref<200x128xf32, #tpu.memory_space<vmem>>, vector<1x16xf32>,
          %get3A_193 = arith.index_cast %add3A_149 : i32 to index
          %get3A_194 = arith.constant 80 : index
          %get3A_195 = tpu.vector_load %arg7[%get3A_193, %get3A_194] {strides = array<i32>} : memref<200x128xf32, #tpu.memory_space<vmem>>, vector<1x16xf32>,
          %get3A_196 = vector.shape_cast %get3A_195 : vector<1x16xf32> to vector<16xf32>
          %swap3A_197 = arith.index_cast %add3A_149 : i32 to index
          %swap3A_198 = arith.constant 80 : index
          %swap3A_199 = tpu.vector_load %arg10[%swap3A_197, %swap3A_198] {strides = array<i32>} : memref<200x128xf32, #tpu.memory_space<vmem>>, vector<1x16xf32>,
          %swap3A_200 = vector.shape_cast %swap3A_199 : vector<1x16xf32> to vector<16xf32>
          %swap3A_201 = vector.shape_cast %get3A_196 : vector<16xf32> to vector<1x16xf32>
          tpu.vector_store %arg10[%swap3A_197, %swap3A_198], %swap3A_201 {add = true, strides = array<i32>} : memref<200x128xf32, #tpu.memory_space<vmem>>, vector<1x16xf32>,
          %get3A_202 = arith.index_cast %add3A_149 : i32 to index
          %get3A_203 = arith.constant 96 : index
          %get3A_204 = tpu.vector_load %arg7[%get3A_202, %get3A_203] {strides = array<i32>} : memref<200x128xf32, #tpu.memory_space<vmem>>, vector<1x16xf32>,
          %get3A_205 = vector.shape_cast %get3A_204 : vector<1x16xf32> to vector<16xf32>
          %swap3A_206 = arith.index_cast %add3A_149 : i32 to index
          %swap3A_207 = arith.constant 96 : index
          %swap3A_208 = tpu.vector_load %arg10[%swap3A_206, %swap3A_207] {strides = array<i32>} : memref<200x128xf32, #tpu.memory_space<vmem>>, vector<1x16xf32>,
          %swap3A_209 = vector.shape_cast %swap3A_208 : vector<1x16xf32> to vector<16xf32>
          %swap3A_210 = vector.shape_cast %get3A_205 : vector<16xf32> to vector<1x16xf32>
          tpu.vector_store %arg10[%swap3A_206, %swap3A_207], %swap3A_210 {add = true, strides = array<i32>} : memref<200x128xf32, #tpu.memory_space<vmem>>, vector<1x16xf32>,
          %get3A_211 = arith.index_cast %add3A_149 : i32 to index
          %get3A_212 = arith.constant 112 : index
          %get3A_213 = tpu.vector_load %arg7[%get3A_211, %get3A_212] {strides = array<i32>} : memref<200x128xf32, #tpu.memory_space<vmem>>, vector<1x16xf32>,
          %get3A_214 = vector.shape_cast %get3A_213 : vector<1x16xf32> to vector<16xf32>
          %swap3A_215 = arith.index_cast %add3A_149 : i32 to index
          %swap3A_216 = arith.constant 112 : index
          %swap3A_217 = tpu.vector_load %arg10[%swap3A_215, %swap3A_216] {strides = array<i32>} : memref<200x128xf32, #tpu.memory_space<vmem>>, vector<1x16xf32>,
          %swap3A_218 = vector.shape_cast %swap3A_217 : vector<1x16xf32> to vector<16xf32>
          %swap3A_219 = vector.shape_cast %get3A_214 : vector<16xf32> to vector<1x16xf32>
          tpu.vector_store %arg10[%swap3A_215, %swap3A_216], %swap3A_219 {add = true, strides = array<i32>} : memref<200x128xf32, #tpu.memory_space<vmem>>, vector<1x16xf32>,
        }
        %scan3A_122 = arith.constant 72 : i32
        %add3A_123 = arith.addi %mul3A_2, %add3A_79 : i32
        %dma_start3A_124 = arith.constant 128 : i32
        %dma_start3A_125 = arith.constant 0 : i32
        %dma_start3A_126 = tpu.memref_slice %arg10[%dma_start3A_124, %dma_start3A_125] : memref<200x128xf32, #tpu.memory_space<vmem>> -> memref<72x128xf32, #tpu.memory_space<vmem>>
        %dma_start3A_127 = arith.constant 128 : i32
        %dma_start3A_128 = arith.constant 0 : i32
        %dma_start3A_129 = tpu.memref_slice %arg5[%add3A_123, %dma_start3A_127, %dma_start3A_128] : memref<1024x200x128xf32, #tpu.memory_space<hbm>> -> memref<1x72x128xf32, #tpu.memory_space<hbm>>
        %dma_start3A_130 = tpu.memref_squeeze %dma_start3A_129 : memref<1x72x128xf32, #tpu.memory_space<hbm>> -> memref<72x128xf32, #tpu.memory_space<hbm>>
        %dma_start3A_131 = arith.constant 128 : i32
        %dma_start3A_132 = arith.constant 0 : i32
        %dma_start3A_133 = tpu.memref_slice %arg5[%add3A_123, %dma_start3A_131, %dma_start3A_132] : memref<1024x200x128xf32, #tpu.memory_space<hbm>> -> memref<1x72x128xf32, #tpu.memory_space<hbm>>
        %dma_start3A_134 = tpu.memref_squeeze %dma_start3A_133 : memref<1x72x128xf32, #tpu.memory_space<hbm>> -> memref<72x128xf32, #tpu.memory_space<hbm>>
        %dma_start3A_135 = arith.constant 128 : i32
        %dma_start3A_136 = arith.constant 0 : i32
        %dma_start3A_137 = tpu.memref_slice %arg10[%dma_start3A_135, %dma_start3A_136] : memref<200x128xf32, #tpu.memory_space<vmem>> -> memref<72x128xf32, #tpu.memory_space<vmem>>
        tpu.enqueue_dma source(%dma_start3A_137 : memref<72x128xf32, #tpu.memory_space<vmem>>) target(%dma_start3A_134 : memref<72x128xf32, #tpu.memory_space<hbm>>) target_semaphore(%arg16 : memref<!tpu.dma_semaphore, #tpu.memory_space<semaphore_mem>>)
        %add3A_138 = arith.constant 2 : i32
        %add3A_139 = arith.addi %add3A_79, %add3A_138 : i32
        %lt3A_140 = arith.constant 32 : i32
        %lt3A_141 = arith.cmpi slt, %add3A_139, %lt3A_140 : i32
        %convert_element_type3A_142 = arith.extui %lt3A_141 : i1 to i32
        %cond3A_143 = arith.constant 0 : i32
        %cond3A_144 = arith.cmpi ne, %convert_element_type3A_142, %cond3A_143 : i32
        scf.if %cond3A_144 {
          %add3A_145 = arith.constant 2 : i32
          %add3A_146 = arith.addi %add3A_79, %add3A_145 : i32
          %dma_start3A_147 = arith.constant 0 : i32
          %dma_start3A_148 = arith.constant 0 : i32
          %dma_start3A_149 = tpu.memref_slice %arg9[%dma_start3A_147, %dma_start3A_148] : memref<200x128xf32, #tpu.memory_space<vmem>> -> memref<128x128xf32, #tpu.memory_space<vmem>>
          %dma_start3A_150 = arith.constant 0 : i32
          %dma_start3A_151 = tpu.memref_slice %arg6[%add3A_146, %dma_start3A_150] : memref<32x200xi32, #tpu.memory_space<vmem>> -> memref<1x128xi32, #tpu.memory_space<vmem>>
          %dma_start3A_152 = tpu.memref_squeeze %dma_start3A_151 : memref<1x128xi32, #tpu.memory_space<vmem>> -> memref<128xi32, #tpu.memory_space<vmem>>
          %dma_start3A_153 = arith.constant 0 : i32
          %dma_start3A_154 = arith.constant 0 : i32
          %dma_start3A_155 = tpu.memref_slice %arg3[%dma_start3A_153, %dma_start3A_154] : memref<100000x128xf32, #tpu.memory_space<hbm>> -> memref<100000x128xf32, #tpu.memory_space<hbm>>
          tpu.enqueue_indirect_dma source(%dma_start3A_155 : memref<100000x128xf32, #tpu.memory_space<hbm>>) target(%dma_start3A_149 : memref<128x128xf32, #tpu.memory_space<vmem>>) offsets(%dma_start3A_152 : memref<128xi32, #tpu.memory_space<vmem>>) semaphore(%arg12 : memref<!tpu.dma_semaphore, #tpu.memory_space<semaphore_mem>>)
          %dma_start3A_156 = arith.constant 128 : i32
          %dma_start3A_157 = arith.constant 0 : i32
          %dma_start3A_158 = tpu.memref_slice %arg9[%dma_start3A_156, %dma_start3A_157] : memref<200x128xf32, #tpu.memory_space<vmem>> -> memref<72x128xf32, #tpu.memory_space<vmem>>
          %dma_start3A_159 = arith.constant 128 : i32
          %dma_start3A_160 = tpu.memref_slice %arg6[%add3A_146, %dma_start3A_159] : memref<32x200xi32, #tpu.memory_space<vmem>> -> memref<1x72xi32, #tpu.memory_space<vmem>>
          %dma_start3A_161 = tpu.memref_squeeze %dma_start3A_160 : memref<1x72xi32, #tpu.memory_space<vmem>> -> memref<72xi32, #tpu.memory_space<vmem>>
          %dma_start3A_162 = arith.constant 0 : i32
          %dma_start3A_163 = arith.constant 0 : i32
          %dma_start3A_164 = tpu.memref_slice %arg3[%dma_start3A_162, %dma_start3A_163] : memref<100000x128xf32, #tpu.memory_space<hbm>> -> memref<100000x128xf32, #tpu.memory_space<hbm>>
          tpu.enqueue_indirect_dma source(%dma_start3A_164 : memref<100000x128xf32, #tpu.memory_space<hbm>>) target(%dma_start3A_158 : memref<72x128xf32, #tpu.memory_space<vmem>>) offsets(%dma_start3A_161 : memref<72xi32, #tpu.memory_space<vmem>>) semaphore(%arg12 : memref<!tpu.dma_semaphore, #tpu.memory_space<semaphore_mem>>)
        } else {
        }
      } else {
      }
    }
    %scan3A_52 = arith.constant 11 : i32
    %dma_wait3A_53 = arith.constant 0 : i32
    %dma_wait3A_54 = arith.constant 0 : i32
    %dma_wait3A_55 = arith.constant 0 : i32
    %dma_wait3A_56 = tpu.memref_slice %arg5[%dma_wait3A_53, %dma_wait3A_54, %dma_wait3A_55] : memref<1024x200x128xf32, #tpu.memory_space<hbm>> -> memref<1x200x128xf32, #tpu.memory_space<hbm>>
    %dma_wait3A_57 = tpu.memref_squeeze %dma_wait3A_56 : memref<1x200x128xf32, #tpu.memory_space<hbm>> -> memref<200x128xf32, #tpu.memory_space<hbm>>
    %dma_wait3A_58 = arith.constant 0 : i32
    %dma_wait3A_59 = arith.constant 0 : i32
    %dma_wait3A_60 = tpu.memref_slice %arg5[%dma_wait3A_53, %dma_wait3A_58, %dma_wait3A_59] : memref<1024x200x128xf32, #tpu.memory_space<hbm>> -> memref<1x200x128xf32, #tpu.memory_space<hbm>>
    %dma_wait3A_61 = tpu.memref_squeeze %dma_wait3A_60 : memref<1x200x128xf32, #tpu.memory_space<hbm>> -> memref<200x128xf32, #tpu.memory_space<hbm>>
    tpu.wait_dma2 semaphore(%arg15 : memref<!tpu.dma_semaphore, #tpu.memory_space<semaphore_mem>>) src(%arg9 : memref<200x128xf32, #tpu.memory_space<vmem>>) dst(%dma_wait3A_61 : memref<200x128xf32, #tpu.memory_space<hbm>>)
    return
  }
}

</mosaic_0001>

<sc_bundles>
// kernel: kernel.3.cloned.1.call-start
scs
__scs_entry_jumppad:
0x0: {  	(pc) =	sbr.rel $0x88, $3  }
0x1: {  	(tag) =	ssettag $0x0;
	lr =	simm.s32 $0x1  }
0x2: {  	[smem:$0x3F9F] =	sst lr;
	_ =	strace $0xD0000000  }
0x3: {  	_ = 	snop  }
0x4: {  	_ = 	snop  }
0x5: {  	_ = 	snop  }
0x6: {  	_ = 	snop  }
0x7: {  	_ = 	snop  }
__scs_overlays_trampoline_lowered:
0x8: {  	[smem:$0x3FAE] =	sst s0  }
0x9: {  	[smem:$0x3FAF] =	sst s1  }
0xa: {  	[smem:$0x3FB0] =	sst s2  }
0xb: {  	[smem:$0x3FB1] =	sst s3  }
0xc: {  	[smem:$0x3FB2] =	sst s4  }
0xd: {  	[smem:$0x3FB3] =	sst s5  }
0xe: {  	[smem:$0x3FB4] =	sst s6  }
0xf: {  	[smem:$0x3FB5] =	sst s7  }
0x10: {  	[smem:$0x3FB6] =	sst s8  }
0x11: {  	[smem:$0x3FB7] =	sst s9;
	s0 =	simm.s32 @!p0 $0x0  }
0x12: {  	s1 =	sld [smem:$0x3F9D];
	s0 =	simm.s32 @p0 $0x1  }
0x13: {  	[smem:$0x3FB8] =	sst s0;
	s0 =	simm.s32 @!p1 $0x0  }
0x14: {  	s2 =	sld [smem:$0x3F9C];
	s0 =	simm.s32 @p1 $0x1  }
0x15: {  	[smem:$0x3FB9] =	sst s0;
	s0 =	simm.s32 @!p2 $0x0  }
0x16: {  	s3 =	sld [smem:$0x3FDB];
	s0 =	simm.s32 @p2 $0x1  }
0x17: {  	s4 =	simm.s32 $0x1BF5;
	[smem:$0x3FBB] =	sst s0  }
0x18: {  	s0 =	sld [smem:$0x3F9E];
	_ =	swait.ge [sflag:s4], $0x0  }
0x19: {  	s7 =	sld [smem:$0x3F9F]  }
0x1a: {  	s8 =	sadd.s32 $0xFFFFE003, lr  }
0x1b: {  	s9 =	sadd.s32 $0xFFFFFEF7, lr;
	s5 =	simm.s32 $0xFFFFFFFF;
	p2 =	slt.u32 s8, $0xFFFFF086  }
0x1c: {  	p1 =	slt.u32 s9, $0xF7A;
	s5 =	simm.s32 @!p2 $0x0  }
0x1d: {  	s5 =	simm.s32 @p1 $0x1;
	p0 =	seq.s32 s7, s2  }
0x1e: {  	s7 =	smul.u32 @!p0 $0xF7A, s2;
	p2 =	seq.s32 @!p0 s5, $0x0  }
0x1f: {  	s9 =	smul.u32 $0xF7A, s1;
	s8 =	simm.s32 @!p0 $0x1BF5;
	p2 =	por !p2, p0  }
0x20: {  	[sflag:s8] =	ssyncset.s32 @!p0 $0xFFFFF086;
	s6 =	sadd.s32 @!p0 s3, s7;
	s7 =	simm.s32 @!p0 $0x108  }
0x21: {  	s3 =	sadd.s32 s3, s9;
	s6 =	sadd.s32 @!p0 $0x88, s6;
	s7 =	simm.s32 @p2 $0x1082  }
0x22: {  	[simem:s7], [sflag:s8] =	dma.local @!p0 [hbm:s6], $0xF7A  }
0x23: {  	s9 =	sor.u32 $0xD0000000, s2;
	s6 =	simm.s32 $0x108;
	_ =	swait.ge @!p0 [sflag:s8], $0x0  }
0x24: {  	s3 =	sadd.s32 $0x88, s3;
	s6 =	simm.s32 @!p1 $0x1082;
	[sflag:s4] =	ssyncset.s32 $0xFFFFF086  }
0x25: {  	[simem:s6], [sflag:s4] =	dma.local [hbm:s3], $0xF7A  }
0x26: {  	[smem:$0x3F9F] =	sst s1;
	(tag) =	ssettag s2;
	_ =	strace s9  }
0x27: {  	s1 =	sld [smem:$0x3FAF]  }
0x28: {  	s2 =	sld [smem:$0x3FB0]  }
0x29: {  	s4 =	sld [smem:$0x3FB2]  }
0x2a: {  	p0 =	seq.s32 s5, $0x0;
	s5 =	sld [smem:$0x3FB3]  }
0x2b: {  	s6 =	sld [smem:$0x3FB4]  }
0x2c: {  	s7 =	sld [smem:$0x3FB5]  }
0x2d: {  	s3 =	simm.s32 $0x108;
	s8 =	sld [smem:$0x3FB6]  }
0x2e: {  	s3 =	simm.s32 @!p0 $0x1082;
	s9 =	sld [smem:$0x3FB7]  }
0x2f: {  	lr =	sadd.s32 s0, s3;
	s0 =	sld [smem:$0x3FAE]  }
0x30: {  	s3 =	sld [smem:$0x3FB1]  }
0x31: {  	[smem:$0x3FBA] =	sst s10  }
0x32: {  	s10 =	sld [smem:$0x3FB8];
	_ =	sdelay $0x3  }
0x33: {  	p0 =	seq.s32 s10, $0x1;
	s10 =	sld [smem:$0x3FBA];
	_ =	sdelay $0x3  }
0x34: {  	[smem:$0x3FBA] =	sst s10  }
0x35: {  	s10 =	sld [smem:$0x3FB9];
	_ =	sdelay $0x3  }
0x36: {  	p1 =	seq.s32 s10, $0x1;
	s10 =	sld [smem:$0x3FBA];
	_ =	sdelay $0x3  }
0x37: {  	[smem:$0x3FBA] =	sst s10  }
0x38: {  	s10 =	sld [smem:$0x3FBB]  }
0x39: {  	_ = 	snop;
	(pc) =	sbr.ind lr, $3  }
0x3a: {  	_ = 	snop  }
0x3b: {  	_ = 	snop  }
0x3c: {  	p2 =	seq.s32 s10, $0x1;
	s10 =	sld [smem:$0x3FBA]  }
0x3d: {  	_ =	shalt  }
0x3e: {  	_ =	shalt  }
0x3f: {  	_ =	shalt  }
0x40: {  	_ =	shalt  }
0x41: {  	_ =	shalt  }
0x42: {  	_ =	shalt  }
0x43: {  	_ =	shalt  }
0x44: {  	_ =	shalt  }
0x45: {  	_ =	shalt  }
0x46: {  	_ =	shalt  }
0x47: {  	_ =	shalt  }
0x48: {  	_ =	shalt  }
0x49: {  	_ =	shalt  }
0x4a: {  	_ =	shalt  }
0x4b: {  	_ =	shalt  }
0x4c: {  	_ =	shalt  }
0x4d: {  	_ =	shalt  }
0x4e: {  	_ =	shalt  }
0x4f: {  	_ =	shalt  }
0x50: {  	_ =	shalt  }
0x51: {  	_ =	shalt  }
0x52: {  	_ =	shalt  }
0x53: {  	_ =	shalt  }
0x54: {  	_ =	shalt  }
0x55: {  	_ =	shalt  }
0x56: {  	_ =	shalt  }
0x57: {  	_ =	shalt  }
0x58: {  	_ =	shalt  }
0x59: {  	_ =	shalt  }
0x5a: {  	_ =	shalt  }
0x5b: {  	_ =	shalt  }
0x5c: {  	_ =	shalt  }
0x5d: {  	_ =	shalt  }
0x5e: {  	_ =	shalt  }
0x5f: {  	_ =	shalt  }
0x60: {  	_ =	shalt  }
0x61: {  	_ =	shalt  }
0x62: {  	_ =	shalt  }
0x63: {  	_ =	shalt  }
0x64: {  	_ =	shalt  }
0x65: {  	_ =	shalt  }
0x66: {  	_ =	shalt  }
0x67: {  	_ =	shalt  }
0x68: {  	_ =	shalt  }
0x69: {  	_ =	shalt  }
0x6a: {  	_ =	shalt  }
0x6b: {  	_ =	shalt  }
0x6c: {  	_ =	shalt  }
0x6d: {  	_ =	shalt  }
0x6e: {  	_ =	shalt  }
0x6f: {  	_ =	shalt  }
0x70: {  	_ =	shalt  }
0x71: {  	_ =	shalt  }
0x72: {  	_ =	shalt  }
0x73: {  	_ =	shalt  }
0x74: {  	_ =	shalt  }
0x75: {  	_ =	shalt  }
0x76: {  	_ =	shalt  }
0x77: {  	_ =	shalt  }
0x78: {  	_ =	shalt  }
0x79: {  	_ =	shalt  }
0x7a: {  	_ =	shalt  }
0x7b: {  	_ =	shalt  }
0x7c: {  	_ =	shalt  }
0x7d: {  	_ =	shalt  }
0x7e: {  	_ =	shalt  }
0x7f: {  	_ =	shalt  }
0x80: {  	_ =	shalt  }
0x81: {  	_ =	shalt  }
0x82: {  	_ =	shalt  }
0x83: {  	_ =	shalt  }
0x84: {  	_ =	shalt  }
0x85: {  	_ =	shalt  }
0x86: {  	_ =	shalt  }
0x87: {  	_ =	shalt  }
.Lfunc_end0:
.L_simem_size_0:
called_computation_lowered:
.L_overlay_start_0:
0x88: {  	s2 =	sld [smem:$0x3FD9]  }
0x89: {  	s3 =	sld [smem:$0x3FFE];
	_ =	sdelay $0x1  }
0x8a: {  	s1 =	srdreg.scid  }
0x8b: {  	s0 =	sand.u32 $0x1, s1  }
0x8c: {  	s17 =	sshll.u32 s0, $0xA;
	s2 =	sadd.s32 s3, s2  }
0x8d: {  	s2 =	sadd.s32 s2, s17  }
0x8e: {  	[smem:$0x3FC6] =	sst s2  }
0x8f: {  	_ = 	snop  }
0x90: {  	s2 =	sld [smem:$0x3FC8]  }
0x91: {  	s18 =	sld [smem:$0x3FD0];
	(tm) =	ssettm $0x1  }
0x92: {  	s4 =	sld [smem:$0x3FFB];
	_ =	sdelay $0x3  }
0x93: {  	_ =	strace s4  }
0x94: {  	s4 =	sld [smem:$0x3FFC];
	_ =	sdelay $0x3  }
0x95: {  	_ =	strace s4  }
0x96: {  	s4 =	sld [smem:$0x3FFD];
	_ =	sdelay $0x3  }
0x97: {  	_ =	strace s4  }
0x98: {  	_ =	strace $0x8FFFFFFF  }
0x99: {  	s19 =	sld [smem:$0x3FDB];
	_ =	sdelay $0x1  }
0x9a: {  	s5 =	simm.s32 $_scs_section_size  }
0x9b: {  	s6 =	simm.s32 $_size__tile_overlayer_lowered;
	s7 =	simm.s32 $_tile_overlayer_lowered  }
0x9c: {  	s22 =	simm.s32 $0x1BFF;
	s21 =	sshll.u32 s7, $0x1;
	s4 =	sadd.s32 s5, s19  }
0x9d: {  	s8 =	simm.s32 $0x0;
	s20 =	sshll.u32 s6, $0x1;
	s6 =	sadd.s32 s21, s4  }
0x9e: {  	[timem:s8], [sflag:s22] =	dma.local [hbm:s6], s20  }
0x9f: {  	_ =	swait.ge [sflag:s22], s20  }
0xa0: {  	s5 =	ssub.s32 $0x0, s20;
	[sflag:s22] =	ssyncset.done $0x0  }
0xa1: {  	[sflag:s22] =	ssyncadd.s32 s5;
	_ =	sdelay $0x1  }
0xa2: {  	s23 =	simm.s32 $0x1B8B  }
0xa3: {  	_ =	swait.ge [sflag:s23], $0x1  }
0xa4: {  	[sflag:s23] =	ssyncset.done $0x0  }
0xa5: {  	s25 =	simm.s32 $0x1B8E;
	s24 =	sld [smem:$0x3FFE];
	[sflag:s23] =	ssyncadd.s32 $0xFFFFFFFF  }
0xa6: {  	s26 =	simm.s32 $execute0_lowered;
	[smem:$0x3FD2] =	sst s25  }
0xa7: {  	s6 =	sshll.u32 s26, $0x1;
	_ =	strace $0x80000046;
	[dreg:$0x1] =	wrdreg $0xFFFFFFFF  }
0xa8: {  	s28 =	simm.s32 $_size_execute0_lowered;
	s4 =	sadd.s32 s4, s6;
	[dreg:$0x0] =	wrdreg $0x0  }
0xa9: {  	s6 =	sshll.u32 s28, $0x1;
	[dreg:$0x2] =	wrdreg s4  }
0xaa: {  	[dreg:$0x3] =	wrdreg s6  }
0xab: {  	[dreg:$0x4] =	wrdreg $0xC0  }
0xac: {  	_ =	task [dreg:s8], $0x5FFFF  }
0xad: {  	[dreg:$0x1] =	wrdreg $0xFFFFFFFF  }
0xae: {  	[dreg:$0x0] =	wrdreg $0x60  }
0xaf: {  	[dreg:$0x2] =	wrdreg s24  }
0xb0: {  	[dreg:$0x3] =	wrdreg s2  }
0xb1: {  	[dreg:$0x4] =	wrdreg s18  }
0xb2: {  	[dreg:$0x5] =	wrdreg $0x9  }
0xb3: {  	_ =	task.clear_ibuf [dreg:s8], $0x6FFFF;
	_ =	strace $0x90000046  }
0xb4: {  	s29 =	simm.s32 $0x9;
	_ =	strace $0x80000048  }
0xb5: {  	_ =	swait.ge [sflag:s29], $0x1  }
0xb6: {  	[sflag:s29] =	ssyncadd.s32 $0xFFFFFFFF  }
0xb7: {  	_ =	strace $0x90000048  }
0xb8: {  	_ =	sfence  }
0xb9: {  	s30 =	sld [smem:$0x0];
	_ =	sdelay $0x2  }
0xba: {  	s31 =	sshll.u32 s1, $0xD;
	s1 =	sshrl.u32 s1, $0x2  }
0xbb: {  	s3 =	sand.u32 $0x4000, s31;
	s1 =	sadd.s32 s1, s30  }
0xbc: {  	s0 =	sor.u32 s3, s0;
	s1 =	sshll.u32 s1, $0x11  }
0xbd: {  	s0 =	sor.u32 s1, s0  }
0xbe: {  	s0 =	sadd.s32 $0x8F2B, s0  }
0xbf: {  	[sflag:s0] =	ssyncadd.remote.s32 $0x1  }
0xc0: {  	_ =	sfence.sel $0xFFFF  }
0xc1: {  	[dreg:$0x0] =	wrdreg $0xFFFFFFFF;
	(pc) =	sbr.abs _section_cstart, $3  }
0xc2: {  	[dreg:$0x1] =	wrdreg $0xFFFFFFFF  }
0xc3: {  	_ =	task.clear_ibuf [dreg:s8], $0x2FFFF;
	_ =	strace $0x9FFFFFFF  }
0xc4: {  	(tm) =	ssettm $0x7FFFFFFF  }
0xc5: {  	_ =	shalt  }
tec
execute0_lowered:
.L_overlay_start_1:
0x0: {  	(tag) =	ssettag $0x1  }
0x1: {  	s0 =	rddreg [dreg:$0x0];
	s1 =	srdreg.scid  }
0x2: {  	s2 =	rddreg [dreg:$0x1];
	s4 =	stileid.u32  }
0x3: {  	s3 =	rddreg [dreg:$0x2];
	s11 =	simm.s32 $0x7;
	s12 =	simm.s32 $0x80  }
0x4: {  	s13 =	simm.s32 $0x8400;
	s14 =	simm.s32 $0x48;
	s16 =	simm.s32 $0xC400  }
0x5: {  	s17 =	simm.s32 $0xE800;
	s18 =	simm.s32 $0x480;
	s19 =	simm.s32 $0x12800  }
0x6: {  	s20 =	simm.s32 $0x2000;
	s21 =	simm.s32 $0x1;
	s22 =	simm.s32 $0x2  }
0x7: {  	s23 =	simm.s32 $0x4;
	s24 =	simm.s32 $0x5;
	s25 =	simm.s32 $0x3  }
0x8: {  	s26 =	simm.s32 $0x14C00;
	s28 =	simm.s32 $0x18C00;
	s29 =	simm.s32 $0x0  }
0x9: {  	s1 =	sand.u32 $0x1, s1;
	s5 =	sshll.u32 s4, $0x6;
	s4 =	simm.s32 $0x0  }
.Ltmp0:
0xa: {  	s6 =	sshll.u32 s1, $0x5;
	s1 =	ssub.s32 $0x2, s1;
	(pc) =	sbr.rel .LBB2_1-.Ltmp0, $4  }
0xb: {  	[smem:$0x7FF] =	sst s4;
	s5 =	sor.u32 s6, s5;
	s8 =	sshrl.u32 s1, $0x1  }
0xc: {  	_ =	strace $0x80000047;
	s6 =	sshll.u32 s5, $0x5;
	s31 =	ssub.s32 s1, s8  }
0xd: {  	s8 =	sor.u32 $0x1, s5;
	s9 =	sor.u32 $0x2, s5;
	s7 =	sadd.s32 s6, s0  }
0xe: {  	s6 =	sadd.s32 $0x8400, s0;
	s10 =	smax.u32 s31, $0x1;
	s7 =	sadd.s32 $0x400, s7  }
.LBB2_16:
0xf: {  	s29 =	sadd.s32 $0x1, s29  }
0x10: {  	p0 =	sne.s32 s29, s10  }
.Ltmp1:
0x11: {  	_ = 	snop;
	(pc) =	sbr.rel @!p0 .LBB2_17-.Ltmp1, $4  }
0x12: {  	_ = 	snop  }
0x13: {  	_ =	swait.ge [sflag:s24], $0x6400  }
0x14: {  	[sflag:s24] =	ssyncset.done $0x0  }
0x15: {  	[sflag:s24] =	ssyncadd.s32 $0xFFFF9C00  }
.LBB2_1:
0x16: {  	[tilespmem:s4], [sflag:$0x7] =	stream.linear.gather [hbm4b:s7+s4], $0x2000, $0x38;
	[tilespmem:$0x1B000] =	vst v63  }
0x17: {  	_ =	swait.ge [sflag:s11], $0x2000  }
0x18: {  	[sflag:s11] =	ssyncset.done $0x0  }
0x19: {  	[sflag:s11] =	ssyncadd.s32 $0xFFFFE000  }
0x1a: {  	[tilespmem:s13], [sflag:$0x1] =	stream.indirect.gather [hbm4b:s2+s12], $0x80, s4, s12, $0xb8;
	[tilespmem:$0x1B000] =	vst v63  }
0x1b: {  	s0 =	simm.s32 $0x400  }
0x1c: {  	[tilespmem:s16], [sflag:$0x1] =	stream.indirect.gather [hbm4b:s2+s14], $0x80, s0, s14, $0xb8;
	[tilespmem:$0x1B000] =	vst v63  }
0x1d: {  	_ = 	snop  }
0x1e: {  	[tilespmem:s17], [sflag:$0x2] =	stream.indirect.gather [hbm4b:s2+s12], $0x80, s12, s12, $0xb8;
	[tilespmem:$0x1B000] =	vst v63  }
0x1f: {  	_ = 	snop  }
0x20: {  	[tilespmem:s19], [sflag:$0x2] =	stream.indirect.gather [hbm4b:s2+s14], $0x80, s18, s14, $0xb8;
	[tilespmem:$0x1B000] =	vst v63  }
0x21: {  	_ = 	snop  }
0x22: {  	[tilespmem:s20], [sflag:$0x7] =	stream.linear.gather [hbm4b:s6+s4], $0x6400, $0x38;
	[tilespmem:$0x1B000] =	vst v63  }
0x23: {  	_ =	swait.ge [sflag:s11], $0x6400  }
0x24: {  	[sflag:s11] =	ssyncset.done $0x0  }
0x25: {  	s30 =	simm.s32 $0x0;
	[sflag:s11] =	ssyncadd.s32 $0xFFFF9C00  }
.LBB2_2:
0x26: {  	_ =	swait.ge [sflag:s21], $0x6400  }
0x27: {  	p0 =	seq.s32 s30, $0x0;
	[sflag:s21] =	ssyncset.done $0x0  }
0x28: {  	s0 =	simm.s32 @!p0 $0x6;
	[sflag:s21] =	ssyncadd.s32 $0xFFFF9C00  }
0x29: {  	_ =	swait.ge @!p0 [sflag:s0], $0x6400  }
0x2a: {  	s31 =	smul.u32 $0x3, s30;
	[sflag:s0] =	ssyncset.done @!p0 $0x0  }
0x2b: {  	s1 =	simm.s32 $0x0;
	[sflag:s0] =	ssyncadd.s32 @!p0 $0xFFFF9C00;
	s0 =	simm.s32 $0x200  }
.LBB2_3:
0x2c: {  	p0 =	sne.s32 s0, $0xFE00;
	v0 =	vld [tilespmem:s1+$0x2070]  }
0x2d: {  	v1 =	vld [tilespmem:s1+$0x2000]  }
0x2e: {  	v2 =	vld [tilespmem:s1+$0x2010]  }
0x2f: {  	v3 =	vld [tilespmem:s1+$0x2020]  }
0x30: {  	v4 =	vld [tilespmem:s1+$0x2030]  }
0x31: {  	[tilespmem:s1+$0x8470] =	vst.add.f32.msk $0xffff, v0  }
0x32: {  	v0 =	vld [tilespmem:s1+$0x2040]  }
0x33: {  	v5 =	vld [tilespmem:s1+$0x2050]  }
0x34: {  	v6 =	vld [tilespmem:s1+$0x2060]  }
0x35: {  	[tilespmem:s1+$0x8400] =	vst.add.f32.msk $0xffff, v1  }
0x36: {  	[tilespmem:s1+$0x8410] =	vst.add.f32.msk $0xffff, v2  }
.Ltmp2:
0x37: {  	[tilespmem:s1+$0x8420] =	vst.add.f32.msk $0xffff, v3;
	(pc) =	sbr.rel @p0 .LBB2_3-.Ltmp2, $4  }
0x38: {  	[tilespmem:s1+$0x8430] =	vst.add.f32.msk $0xffff, v4  }
0x39: {  	[tilespmem:s1+$0x8440] =	vst.add.f32.msk $0xffff, v0  }
0x3a: {  	[tilespmem:s1+$0x8450] =	vst.add.f32.msk $0xffff, v5  }
0x3b: {  	[tilespmem:s1+$0x8460] =	vst.add.f32.msk $0xffff, v6;
	s1 =	sshra.s32 s0, $0x2;
	s0 =	sadd.s32 $0x200, s0  }
0x3c: {  	v0 =	vld [tilespmem:s1+$0x2070]  }
0x3d: {  	v1 =	vld [tilespmem:s1+$0x2000]  }
0x3e: {  	v2 =	vld [tilespmem:s1+$0x2010]  }
0x3f: {  	v3 =	vld [tilespmem:s1+$0x2020]  }
0x40: {  	v4 =	vld [tilespmem:s1+$0x2030]  }
0x41: {  	v63 =	vld [tilespmem:s1+$0x2040]  }
0x42: {  	v5 =	vld [tilespmem:s1+$0x2050]  }
0x43: {  	v6 =	vld [tilespmem:s1+$0x2060]  }
0x44: {  	[tilespmem:s1+$0x8470] =	vst.add.f32.msk $0xffff, v0  }
0x45: {  	[tilespmem:s1+$0x8400] =	vst.add.f32.msk $0xffff, v1  }
0x46: {  	[tilespmem:s1+$0x8410] =	vst.add.f32.msk $0xffff, v2  }
0x47: {  	s0 =	sadd.s32 s5, s31;
	[tilespmem:s1+$0x8420] =	vst.add.f32.msk $0xffff, v3  }
0x48: {  	s0 =	smul.u32 $0x6400, s0;
	[tilespmem:s1+$0x8430] =	vst.add.f32.msk $0xffff, v4  }
0x49: {  	[tilespmem:s1+$0x8440] =	vst.add.f32.msk $0xffff, v63  }
0x4a: {  	s0 =	sshrl.u32 s0, $0x3;
	[tilespmem:s1+$0x8450] =	vst.add.f32.msk $0xffff, v5  }
0x4b: {  	s15 =	simm.s32 $0x0;
	[tilespmem:s1+$0x8460] =	vst.add.f32.msk $0xffff, v6;
	s1 =	sadd.s32 s3, s0  }
0x4c: {  	[hbm4b:s1+s15] =	stream.linear.scatter [tilespmem:s13], [sflag:$0x4], $0x4000, $0x38;
	[tilespmem:$0x1B000] =	vst v63  }
0x4d: {  	s0 =	simm.s32 $0x0;
	s15 =	simm.s32 $0x200  }
.LBB2_5:
0x4e: {  	p0 =	sne.s32 s15, $0x8E00;
	v0 =	vld [tilespmem:s0+$0x6070]  }
0x4f: {  	v1 =	vld [tilespmem:s0+$0x6000]  }
0x50: {  	v2 =	vld [tilespmem:s0+$0x6010]  }
0x51: {  	v3 =	vld [tilespmem:s0+$0x6020]  }
0x52: {  	v4 =	vld [tilespmem:s0+$0x6030]  }
0x53: {  	[tilespmem:s0+$0xC470] =	vst.add.f32.msk $0xffff, v0  }
0x54: {  	v0 =	vld [tilespmem:s0+$0x6040]  }
0x55: {  	v5 =	vld [tilespmem:s0+$0x6050]  }
0x56: {  	v6 =	vld [tilespmem:s0+$0x6060]  }
0x57: {  	[tilespmem:s0+$0xC400] =	vst.add.f32.msk $0xffff, v1  }
0x58: {  	[tilespmem:s0+$0xC410] =	vst.add.f32.msk $0xffff, v2  }
.Ltmp3:
0x59: {  	[tilespmem:s0+$0xC420] =	vst.add.f32.msk $0xffff, v3;
	(pc) =	sbr.rel @p0 .LBB2_5-.Ltmp3, $4  }
0x5a: {  	[tilespmem:s0+$0xC430] =	vst.add.f32.msk $0xffff, v4  }
0x5b: {  	[tilespmem:s0+$0xC440] =	vst.add.f32.msk $0xffff, v0  }
0x5c: {  	[tilespmem:s0+$0xC450] =	vst.add.f32.msk $0xffff, v5  }
0x5d: {  	[tilespmem:s0+$0xC460] =	vst.add.f32.msk $0xffff, v6;
	s0 =	sshra.s32 s15, $0x2;
	s15 =	sadd.s32 $0x200, s15  }
0x5e: {  	v0 =	vld [tilespmem:s0+$0x6070]  }
0x5f: {  	v1 =	vld [tilespmem:s0+$0x6000]  }
0x60: {  	v2 =	vld [tilespmem:s0+$0x6010]  }
0x61: {  	v3 =	vld [tilespmem:s0+$0x6020]  }
0x62: {  	v4 =	vld [tilespmem:s0+$0x6030]  }
0x63: {  	v63 =	vld [tilespmem:s0+$0x6040]  }
0x64: {  	v5 =	vld [tilespmem:s0+$0x6050]  }
0x65: {  	v6 =	vld [tilespmem:s0+$0x6060]  }
0x66: {  	[tilespmem:s0+$0xC470] =	vst.add.f32.msk $0xffff, v0  }
0x67: {  	[tilespmem:s0+$0xC400] =	vst.add.f32.msk $0xffff, v1  }
0x68: {  	[tilespmem:s0+$0xC410] =	vst.add.f32.msk $0xffff, v2  }
0x69: {  	[tilespmem:s0+$0xC420] =	vst.add.f32.msk $0xffff, v3  }
0x6a: {  	[tilespmem:s0+$0xC430] =	vst.add.f32.msk $0xffff, v4  }
0x6b: {  	[tilespmem:s0+$0xC440] =	vst.add.f32.msk $0xffff, v63  }
0x6c: {  	p0 =	seq.s32 s30, $0xA;
	[tilespmem:s0+$0xC450] =	vst.add.f32.msk $0xffff, v5  }
0x6d: {  	s15 =	sadd.s32 $0x800, s1;
	[tilespmem:s0+$0xC460] =	vst.add.f32.msk $0xffff, v6;
	s0 =	sadd.s32 @!p0 $0x2, s31  }
0x6e: {  	[hbm4b:s15+s4] =	stream.linear.scatter [tilespmem:s16], [sflag:$0x4], $0x2400, $0x38;
	[tilespmem:$0x1B000] =	vst v63  }
0x6f: {  	s1 =	sshll.u32 @!p0 s0, $0x8;
	s0 =	sshll.u32 @!p0 s0, $0x7  }
0x70: {  	s1 =	sand.u32 @!p0 $0x7800, s1;
	s0 =	sand.u32 @!p0 $0x380, s0  }
0x71: {  	s15 =	simm.s32 @!p0 $0x14C00;
	s0 =	sor.u32 @!p0 s0, s1;
	s1 =	simm.s32 @!p0 $0x80  }
0x72: {  	[tilespmem:s15], [sflag:$0x3] =	stream.indirect.gather @!p0 [hbm4b:s2+s1], $0x80, s0, s1, $0xb8;
	[tilespmem:$0x1B000] =	vst v63  }
0x73: {  	s0 =	sor.u32 @!p0 $0x400, s0;
	s1 =	simm.s32 @!p0 $0x48;
	s15 =	simm.s32 @!p0 $0x18C00  }
0x74: {  	[tilespmem:s15], [sflag:$0x3] =	stream.indirect.gather @!p0 [hbm4b:s2+s1], $0x80, s0, s1, $0xb8;
	[tilespmem:$0x1B000] =	vst v63  }
0x75: {  	_ =	swait.ge [sflag:s22], $0x6400  }
0x76: {  	[sflag:s22] =	ssyncset.done $0x0  }
0x77: {  	[sflag:s22] =	ssyncadd.s32 $0xFFFF9C00  }
0x78: {  	_ =	swait.ge [sflag:s23], $0x6400  }
0x79: {  	[sflag:s23] =	ssyncset.done $0x0  }
0x7a: {  	s1 =	simm.s32 $0x0;
	s0 =	simm.s32 $0x200;
	[sflag:s23] =	ssyncadd.s32 $0xFFFF9C00  }
.LBB2_7:
0x7b: {  	p1 =	sne.s32 s0, $0xFE00;
	v0 =	vld [tilespmem:s1+$0x2070]  }
0x7c: {  	v1 =	vld [tilespmem:s1+$0x2000]  }
0x7d: {  	v2 =	vld [tilespmem:s1+$0x2010]  }
0x7e: {  	v3 =	vld [tilespmem:s1+$0x2020]  }
0x7f: {  	v4 =	vld [tilespmem:s1+$0x2030]  }
0x80: {  	[tilespmem:s1+$0xE870] =	vst.add.f32.msk $0xffff, v0  }
0x81: {  	v0 =	vld [tilespmem:s1+$0x2040]  }
0x82: {  	v5 =	vld [tilespmem:s1+$0x2050]  }
0x83: {  	v6 =	vld [tilespmem:s1+$0x2060]  }
0x84: {  	[tilespmem:s1+$0xE800] =	vst.add.f32.msk $0xffff, v1  }
0x85: {  	[tilespmem:s1+$0xE810] =	vst.add.f32.msk $0xffff, v2  }
.Ltmp4:
0x86: {  	[tilespmem:s1+$0xE820] =	vst.add.f32.msk $0xffff, v3;
	(pc) =	sbr.rel @p1 .LBB2_7-.Ltmp4, $4  }
0x87: {  	[tilespmem:s1+$0xE830] =	vst.add.f32.msk $0xffff, v4  }
0x88: {  	[tilespmem:s1+$0xE840] =	vst.add.f32.msk $0xffff, v0  }
0x89: {  	[tilespmem:s1+$0xE850] =	vst.add.f32.msk $0xffff, v5  }
0x8a: {  	[tilespmem:s1+$0xE860] =	vst.add.f32.msk $0xffff, v6;
	s1 =	sshra.s32 s0, $0x2;
	s0 =	sadd.s32 $0x200, s0  }
0x8b: {  	v0 =	vld [tilespmem:s1+$0x2070]  }
0x8c: {  	v1 =	vld [tilespmem:s1+$0x2000]  }
0x8d: {  	v2 =	vld [tilespmem:s1+$0x2010]  }
0x8e: {  	v3 =	vld [tilespmem:s1+$0x2020]  }
0x8f: {  	v4 =	vld [tilespmem:s1+$0x2030]  }
0x90: {  	v63 =	vld [tilespmem:s1+$0x2040]  }
0x91: {  	v5 =	vld [tilespmem:s1+$0x2050]  }
0x92: {  	v6 =	vld [tilespmem:s1+$0x2060]  }
0x93: {  	[tilespmem:s1+$0xE870] =	vst.add.f32.msk $0xffff, v0  }
0x94: {  	[tilespmem:s1+$0xE800] =	vst.add.f32.msk $0xffff, v1  }
0x95: {  	[tilespmem:s1+$0xE810] =	vst.add.f32.msk $0xffff, v2  }
0x96: {  	s0 =	sadd.s32 s31, s8;
	[tilespmem:s1+$0xE820] =	vst.add.f32.msk $0xffff, v3  }
0x97: {  	s0 =	smul.u32 $0x6400, s0;
	[tilespmem:s1+$0xE830] =	vst.add.f32.msk $0xffff, v4  }
0x98: {  	[tilespmem:s1+$0xE840] =	vst.add.f32.msk $0xffff, v63  }
0x99: {  	s0 =	sshrl.u32 s0, $0x3;
	[tilespmem:s1+$0xE850] =	vst.add.f32.msk $0xffff, v5  }
0x9a: {  	s15 =	simm.s32 $0x0;
	[tilespmem:s1+$0xE860] =	vst.add.f32.msk $0xffff, v6;
	s1 =	sadd.s32 s3, s0  }
0x9b: {  	[hbm4b:s1+s15] =	stream.linear.scatter [tilespmem:s17], [sflag:$0x5], $0x4000, $0x38;
	[tilespmem:$0x1B000] =	vst v63  }
0x9c: {  	s0 =	simm.s32 $0x0;
	s15 =	simm.s32 $0x200  }
.LBB2_9:
0x9d: {  	p1 =	sne.s32 s15, $0x8E00;
	v0 =	vld [tilespmem:s0+$0x6070]  }
0x9e: {  	v1 =	vld [tilespmem:s0+$0x6000]  }
0x9f: {  	v2 =	vld [tilespmem:s0+$0x6010]  }
0xa0: {  	v3 =	vld [tilespmem:s0+$0x6020]  }
0xa1: {  	v4 =	vld [tilespmem:s0+$0x6030]  }
0xa2: {  	[tilespmem:s0+$0x12870] =	vst.add.f32.msk $0xffff, v0  }
0xa3: {  	v0 =	vld [tilespmem:s0+$0x6040]  }
0xa4: {  	v5 =	vld [tilespmem:s0+$0x6050]  }
0xa5: {  	v6 =	vld [tilespmem:s0+$0x6060]  }
0xa6: {  	[tilespmem:s0+$0x12800] =	vst.add.f32.msk $0xffff, v1  }
0xa7: {  	[tilespmem:s0+$0x12810] =	vst.add.f32.msk $0xffff, v2  }
.Ltmp5:
0xa8: {  	[tilespmem:s0+$0x12820] =	vst.add.f32.msk $0xffff, v3;
	(pc) =	sbr.rel @p1 .LBB2_9-.Ltmp5, $4  }
0xa9: {  	[tilespmem:s0+$0x12830] =	vst.add.f32.msk $0xffff, v4  }
0xaa: {  	[tilespmem:s0+$0x12840] =	vst.add.f32.msk $0xffff, v0  }
0xab: {  	[tilespmem:s0+$0x12850] =	vst.add.f32.msk $0xffff, v5  }
0xac: {  	[tilespmem:s0+$0x12860] =	vst.add.f32.msk $0xffff, v6;
	s0 =	sshra.s32 s15, $0x2;
	s15 =	sadd.s32 $0x200, s15  }
0xad: {  	v0 =	vld [tilespmem:s0+$0x6070]  }
0xae: {  	v1 =	vld [tilespmem:s0+$0x6000]  }
0xaf: {  	v2 =	vld [tilespmem:s0+$0x6010]  }
0xb0: {  	v3 =	vld [tilespmem:s0+$0x6020]  }
0xb1: {  	v4 =	vld [tilespmem:s0+$0x6030]  }
0xb2: {  	v63 =	vld [tilespmem:s0+$0x6040]  }
0xb3: {  	v5 =	vld [tilespmem:s0+$0x6050]  }
0xb4: {  	v6 =	vld [tilespmem:s0+$0x6060]  }
0xb5: {  	[tilespmem:s0+$0x12870] =	vst.add.f32.msk $0xffff, v0  }
0xb6: {  	[tilespmem:s0+$0x12800] =	vst.add.f32.msk $0xffff, v1  }
0xb7: {  	[tilespmem:s0+$0x12810] =	vst.add.f32.msk $0xffff, v2  }
0xb8: {  	[tilespmem:s0+$0x12820] =	vst.add.f32.msk $0xffff, v3  }
.Ltmp6:
0xb9: {  	[tilespmem:s0+$0x12830] =	vst.add.f32.msk $0xffff, v4;
	(pc) =	sbr.rel @p0 .LBB2_16-.Ltmp6, $4  }
0xba: {  	[tilespmem:s0+$0x12840] =	vst.add.f32.msk $0xffff, v63  }
0xbb: {  	[tilespmem:s0+$0x12850] =	vst.add.f32.msk $0xffff, v5  }
0xbc: {  	s15 =	sadd.s32 $0x800, s1;
	[tilespmem:s0+$0x12860] =	vst.add.f32.msk $0xffff, v6  }
0xbd: {  	[hbm4b:s15+s4] =	stream.linear.scatter [tilespmem:s19], [sflag:$0x5], $0x2400, $0x38;
	[tilespmem:$0x1B000] =	vst v63  }
0xbe: {  	s0 =	sadd.s32 $0x3, s31  }
0xbf: {  	s1 =	sshll.u32 s0, $0x8;
	s0 =	sshll.u32 s0, $0x7  }
0xc0: {  	s1 =	sand.u32 $0x7800, s1;
	s0 =	sand.u32 $0x380, s0  }
0xc1: {  	s0 =	sor.u32 s0, s1  }
0xc2: {  	[tilespmem:s13], [sflag:$0x1] =	stream.indirect.gather [hbm4b:s2+s12], $0x80, s0, s12, $0xb8;
	[tilespmem:$0x1B000] =	vst v63  }
0xc3: {  	s0 =	sor.u32 $0x400, s0  }
0xc4: {  	[tilespmem:s16], [sflag:$0x1] =	stream.indirect.gather [hbm4b:s2+s14], $0x80, s0, s14, $0xb8;
	[tilespmem:$0x1B000] =	vst v63  }
0xc5: {  	_ =	swait.ge [sflag:s25], $0x6400  }
0xc6: {  	[sflag:s25] =	ssyncset.done $0x0  }
0xc7: {  	[sflag:s25] =	ssyncadd.s32 $0xFFFF9C00  }
0xc8: {  	_ =	swait.ge [sflag:s24], $0x6400  }
0xc9: {  	[sflag:s24] =	ssyncset.done $0x0  }
0xca: {  	s1 =	simm.s32 $0x0;
	s0 =	simm.s32 $0x200;
	[sflag:s24] =	ssyncadd.s32 $0xFFFF9C00  }
.LBB2_12:
0xcb: {  	p0 =	sne.s32 s0, $0xFE00;
	v0 =	vld [tilespmem:s1+$0x2070]  }
0xcc: {  	v1 =	vld [tilespmem:s1+$0x2000]  }
0xcd: {  	v2 =	vld [tilespmem:s1+$0x2010]  }
0xce: {  	v3 =	vld [tilespmem:s1+$0x2020]  }
0xcf: {  	v4 =	vld [tilespmem:s1+$0x2030]  }
0xd0: {  	[tilespmem:s1+$0x14C70] =	vst.add.f32.msk $0xffff, v0  }
0xd1: {  	v0 =	vld [tilespmem:s1+$0x2040]  }
0xd2: {  	v5 =	vld [tilespmem:s1+$0x2050]  }
0xd3: {  	v6 =	vld [tilespmem:s1+$0x2060]  }
0xd4: {  	[tilespmem:s1+$0x14C00] =	vst.add.f32.msk $0xffff, v1  }
0xd5: {  	[tilespmem:s1+$0x14C10] =	vst.add.f32.msk $0xffff, v2  }
.Ltmp7:
0xd6: {  	[tilespmem:s1+$0x14C20] =	vst.add.f32.msk $0xffff, v3;
	(pc) =	sbr.rel @p0 .LBB2_12-.Ltmp7, $4  }
0xd7: {  	[tilespmem:s1+$0x14C30] =	vst.add.f32.msk $0xffff, v4  }
0xd8: {  	[tilespmem:s1+$0x14C40] =	vst.add.f32.msk $0xffff, v0  }
0xd9: {  	[tilespmem:s1+$0x14C50] =	vst.add.f32.msk $0xffff, v5  }
0xda: {  	[tilespmem:s1+$0x14C60] =	vst.add.f32.msk $0xffff, v6;
	s1 =	sshra.s32 s0, $0x2;
	s0 =	sadd.s32 $0x200, s0  }
0xdb: {  	v0 =	vld [tilespmem:s1+$0x2070]  }
0xdc: {  	v1 =	vld [tilespmem:s1+$0x2000]  }
0xdd: {  	v2 =	vld [tilespmem:s1+$0x2010]  }
0xde: {  	v3 =	vld [tilespmem:s1+$0x2020]  }
0xdf: {  	v4 =	vld [tilespmem:s1+$0x2030]  }
0xe0: {  	v63 =	vld [tilespmem:s1+$0x2040]  }
0xe1: {  	v5 =	vld [tilespmem:s1+$0x2050]  }
0xe2: {  	v6 =	vld [tilespmem:s1+$0x2060]  }
0xe3: {  	[tilespmem:s1+$0x14C70] =	vst.add.f32.msk $0xffff, v0  }
0xe4: {  	[tilespmem:s1+$0x14C00] =	vst.add.f32.msk $0xffff, v1  }
0xe5: {  	[tilespmem:s1+$0x14C10] =	vst.add.f32.msk $0xffff, v2  }
0xe6: {  	s0 =	sadd.s32 s31, s9;
	[tilespmem:s1+$0x14C20] =	vst.add.f32.msk $0xffff, v3  }
0xe7: {  	s0 =	smul.u32 $0x6400, s0;
	[tilespmem:s1+$0x14C30] =	vst.add.f32.msk $0xffff, v4  }
0xe8: {  	[tilespmem:s1+$0x14C40] =	vst.add.f32.msk $0xffff, v63  }
0xe9: {  	s0 =	sshrl.u32 s0, $0x3;
	[tilespmem:s1+$0x14C50] =	vst.add.f32.msk $0xffff, v5  }
0xea: {  	s15 =	simm.s32 $0x0;
	[tilespmem:s1+$0x14C60] =	vst.add.f32.msk $0xffff, v6;
	s1 =	sadd.s32 s3, s0  }
0xeb: {  	[hbm4b:s1+s15] =	stream.linear.scatter [tilespmem:s26], [sflag:$0x6], $0x4000, $0x38;
	[tilespmem:$0x1B000] =	vst v63  }
0xec: {  	s0 =	simm.s32 $0x0;
	s15 =	simm.s32 $0x200  }
.LBB2_14:
0xed: {  	p0 =	sne.s32 s15, $0x8E00;
	v0 =	vld [tilespmem:s0+$0x6070]  }
0xee: {  	v1 =	vld [tilespmem:s0+$0x6000]  }
0xef: {  	v2 =	vld [tilespmem:s0+$0x6010]  }
0xf0: {  	v3 =	vld [tilespmem:s0+$0x6020]  }
0xf1: {  	v4 =	vld [tilespmem:s0+$0x6030]  }
0xf2: {  	[tilespmem:s0+$0x18C70] =	vst.add.f32.msk $0xffff, v0  }
0xf3: {  	v0 =	vld [tilespmem:s0+$0x6040]  }
0xf4: {  	v5 =	vld [tilespmem:s0+$0x6050]  }
0xf5: {  	v6 =	vld [tilespmem:s0+$0x6060]  }
0xf6: {  	[tilespmem:s0+$0x18C00] =	vst.add.f32.msk $0xffff, v1  }
0xf7: {  	[tilespmem:s0+$0x18C10] =	vst.add.f32.msk $0xffff, v2  }
.Ltmp8:
0xf8: {  	[tilespmem:s0+$0x18C20] =	vst.add.f32.msk $0xffff, v3;
	(pc) =	sbr.rel @p0 .LBB2_14-.Ltmp8, $4  }
0xf9: {  	[tilespmem:s0+$0x18C30] =	vst.add.f32.msk $0xffff, v4  }
0xfa: {  	[tilespmem:s0+$0x18C40] =	vst.add.f32.msk $0xffff, v0  }
0xfb: {  	[tilespmem:s0+$0x18C50] =	vst.add.f32.msk $0xffff, v5  }
0xfc: {  	[tilespmem:s0+$0x18C60] =	vst.add.f32.msk $0xffff, v6;
	s0 =	sshra.s32 s15, $0x2;
	s15 =	sadd.s32 $0x200, s15  }
0xfd: {  	v0 =	vld [tilespmem:s0+$0x6070]  }
0xfe: {  	v1 =	vld [tilespmem:s0+$0x6000]  }
0xff: {  	v2 =	vld [tilespmem:s0+$0x6010]  }
0x100: {  	v3 =	vld [tilespmem:s0+$0x6020]  }
0x101: {  	v4 =	vld [tilespmem:s0+$0x6030]  }
0x102: {  	v63 =	vld [tilespmem:s0+$0x6040]  }
0x103: {  	v5 =	vld [tilespmem:s0+$0x6050]  }
0x104: {  	v6 =	vld [tilespmem:s0+$0x6060]  }
0x105: {  	[tilespmem:s0+$0x18C70] =	vst.add.f32.msk $0xffff, v0  }
0x106: {  	[tilespmem:s0+$0x18C00] =	vst.add.f32.msk $0xffff, v1  }
0x107: {  	[tilespmem:s0+$0x18C10] =	vst.add.f32.msk $0xffff, v2  }
0x108: {  	[tilespmem:s0+$0x18C20] =	vst.add.f32.msk $0xffff, v3  }
0x109: {  	[tilespmem:s0+$0x18C30] =	vst.add.f32.msk $0xffff, v4  }
0x10a: {  	[tilespmem:s0+$0x18C40] =	vst.add.f32.msk $0xffff, v63  }
0x10b: {  	s15 =	sadd.s32 $0x4, s31;
	[tilespmem:s0+$0x18C50] =	vst.add.f32.msk $0xffff, v5  }
0x10c: {  	s1 =	sadd.s32 $0x800, s1;
	s31 =	sshll.u32 s15, $0x8;
	[tilespmem:s0+$0x18C60] =	vst.add.f32.msk $0xffff, v6;
	s0 =	sshll.u32 s15, $0x7  }
0x10d: {  	[hbm4b:s1+s4] =	stream.linear.scatter [tilespmem:s28], [sflag:$0x6], $0x2400, $0x38;
	[tilespmem:$0x1B000] =	vst v63  }
.Ltmp9:
0x10e: {  	s1 =	sand.u32 $0x7800, s31;
	s0 =	sand.u32 $0x380, s0;
	(pc) =	sbr.rel .LBB2_2-.Ltmp9, $4  }
0x10f: {  	s0 =	sor.u32 s0, s1  }
0x110: {  	[tilespmem:s17], [sflag:$0x2] =	stream.indirect.gather [hbm4b:s2+s12], $0x80, s0, s12, $0xb8;
	[tilespmem:$0x1B000] =	vst v63  }
0x111: {  	s30 =	sadd.s32 $0x1, s30;
	s0 =	sor.u32 $0x400, s0  }
0x112: {  	[tilespmem:s19], [sflag:$0x2] =	stream.indirect.gather [hbm4b:s2+s14], $0x80, s0, s14, $0xb8;
	[tilespmem:$0x1B000] =	vst v63  }
.LBB2_17:
0x113: {  	_ =	sfence.sel $0x180000  }
0x114: {  	[bflag:$0x0] =	sbarrier.arrive $0xFFFF  }
0x115: {  	_ =	strace $0x90000047  }
0x116: {  	s0 =	stileid.u32;
	[bflag:$0x2] =	sbarrier.arrive $0xFFFF  }
0x117: {  	p0 =	sne.s32 s0, $0x0;
	s0 =	rddreg [dreg:$0x3]  }
0x118: {  	s0 =	sadd.s32 @!p0 $0x100000, s0  }
0x119: {  	[sflag:s0] =	ssyncadd.tile.s32 @!p0 $0x1;
	_ =	shalt  }
.Lfunc_end2:
_tile_overlayer_lowered:
.L_overlay_start_2:
0x11a: {  	(tag) =	ssettag $0x2  }
0x11b: {  	s0 =	rddreg [dreg:$0x0];
	s2 =	stileid.u32  }
0x11c: {  	s1 =	rddreg [dreg:$0x1];
	p0 =	sne.s32 s2, $0x0  }
0x11d: {  	s3 =	rddreg [dreg:$0x2];
	[bflag:$0x3] =	sbarrier.arrive $0xFFFF;
	s2 =	simm.s32 @!p0 $0x1C08  }
0x11e: {  	[timem:s3], [sflag:s2] =	dma.local @!p0 [hbm:s0], s1  }
0x11f: {  	s0 =	simm.s32 @!p0 $0x8  }
0x120: {  	_ =	swait.ge @!p0 [sflag:s0], s1  }
0x121: {  	s1 =	ssub.s32 @!p0 $0x0, s1;
	[sflag:s0] =	ssyncset.done @!p0 $0x0  }
0x122: {  	[sflag:s0] =	ssyncadd.s32 @!p0 s1  }
0x123: {  	[bflag:$0x3] =	sbarrier.arrive $0xFFFF  }
0x124: {  	_ =	shalt  }

</sc_bundles>
